<compile_context>
chip_gen: v7x
topology: tpu7x:2x2x1
jax: 0.10.2.dev20260603
libtpu: 0.0.44.dev20260713+nightly
codegen_flags: <defaults>
</compile_context>

<pallas_src>
import functools

import jax
import jax.numpy as jnp
from jax import lax
from jax.experimental import pallas as pl
from jax.experimental.pallas import tpu as pltpu
from jax.experimental.pallas import tpu_sc as plsc

_B = 4096
_L = 200
_D = 32
_NC = 2
_NS = 16
_NW = _NC * _NS
_BPW = _B // _NW
_FV = 15000

_GC = 8
_HB = 4
_DPT = _D // _GC
_BPH = _B // _HB
_CHB = 64
_NCH = _BPH // _CHB

_mesh = plsc.VectorSubcoreMesh(core_axis_name="c", subcore_axis_name="s")


def _sc_body(featsT_hbm, ftabT_hbm, fsumT_hbm, tab_v, fT_v, out_v, sems):
    wid = lax.axis_index("s") * _NC + lax.axis_index("c")
    g = wid // _HB
    h = wid % _HB
    pltpu.sync_copy(ftabT_hbm.at[pl.ds(2 * g, 2), :], tab_v)

    def issue(k, slot):
        kk = jnp.minimum(k, _NCH - 1)
        pltpu.async_copy(
            featsT_hbm.at[:, pl.ds(_BPH * h + _CHB * kk, _CHB)],
            fT_v.at[slot], sems.at[slot])

    def drain(slot):
        pltpu.make_async_copy(featsT_hbm.at[:, pl.ds(0, _CHB)],
                              fT_v.at[slot], sems.at[slot]).wait()

    def process(k, slot):
        zeros = jnp.zeros((16,), jnp.float32)

        @plsc.parallel_loop(0, _L, step=1, unroll=4, carry=(zeros,) * 16)
        def red(l, accs):
            a = list(accs)
            for lg in range(4):
                idx16 = fT_v[slot, l, pl.ds(16 * lg, 16)]
                for p in range(2):
                    w = plsc.load_gather(tab_v.at[p], [idx16])
                    lo, hi = plsc.unpack(plsc.bitcast(w, jnp.bfloat16),
                                         format=plsc.PackFormat.INTERLEAVED)
                    a[_DPT * lg + 2 * p] = a[_DPT * lg + 2 * p] + lo
                    a[_DPT * lg + 2 * p + 1] = a[_DPT * lg + 2 * p + 1] + hi
            return tuple(a)

        acc = red
        for lg in range(4):
            for d in range(_DPT):
                out_v[d, pl.ds(_CHB * k + 16 * lg, 16)] = acc[_DPT * lg + d]

    issue(0, 0)

    def pair(p, carry):
        k0 = 2 * p
        issue(k0 + 1, 1)
        drain(0)
        process(k0, 0)
        issue(k0 + 2, 0)
        drain(1)
        process(k0 + 1, 1)
        return carry

    lax.fori_loop(0, _NCH // 2, pair, 0)
    drain(0)
    pltpu.sync_copy(
        out_v, fsumT_hbm.at[pl.ds(_DPT * g, _DPT), pl.ds(_BPH * h, _BPH)])


_sc_pool = functools.partial(
    pl.kernel,
    out_type=jax.ShapeDtypeStruct((_D, _B), jnp.float32),
    mesh=_mesh,
    scratch_types=[
        pltpu.VMEM((2, _FV), jnp.int32),
        pltpu.VMEM((2, _L, _CHB), jnp.int32),
        pltpu.VMEM((_DPT, _BPH), jnp.float32),
        pltpu.SemaphoreType.DMA((2,)),
    ],
    compiler_params=pltpu.CompilerParams(use_tc_tiling_on_sc=False,
                                         needs_layout_passes=False),
)(_sc_body)


_NV = 100001
_NVP = 100096


def _nz_body(x_ref, out_ref):
    for r in range(8):
        out_ref[pl.ds(r * _NVP, _NV)] = x_ref[r, :]


def _node_zform(node_t):
    return pl.pallas_call(
        _nz_body,
        grid=(_D // 8,),
        in_specs=[pl.BlockSpec((8, _NV), lambda d: (d, 0))],
        out_specs=pl.BlockSpec((8 * _NVP,), lambda d: (d,)),
        out_shape=jax.ShapeDtypeStruct((_D * _NVP,), jnp.float32),
    )(node_t)


def _sc_node_body(nidx_hbm, zq_hbm, nrowT_hbm, nidx_v, zrow_v, out_v):
    wid = lax.axis_index("s") * _NC + lax.axis_index("c")
    pltpu.sync_copy(zq_hbm.at[wid, :], zrow_v)
    pltpu.sync_copy(nidx_hbm, nidx_v)

    @plsc.parallel_loop(0, _B // 16, step=1, unroll=4)
    def gat(i):
        idx16 = nidx_v[pl.ds(16 * i, 16)]
        out_v[pl.ds(16 * i, 16)] = plsc.load_gather(zrow_v, [idx16])

    pltpu.sync_copy(out_v, nrowT_hbm.at[wid, :])


_sc_node = functools.partial(
    pl.kernel,
    out_type=jax.ShapeDtypeStruct((_D, _B), jnp.float32),
    mesh=_mesh,
    scratch_types=[
        pltpu.VMEM((_B,), jnp.int32),
        pltpu.VMEM((_NVP,), jnp.float32),
        pltpu.VMEM((_B,), jnp.float32),
    ],
    compiler_params=pltpu.CompilerParams(use_tc_tiling_on_sc=False,
                                         needs_layout_passes=False),
)(_sc_node_body)


def _tc_body(fsumt_ref, nrow_ref, fw_ref, fb_ref, nw_ref, nb_ref, out_ref):
    fo = lax.dot_general(fsumt_ref[...], fw_ref[...], (((0,), (1,)), ((), ())),
                         preferred_element_type=jnp.float32)
    no = lax.dot_general(nrow_ref[...], nw_ref[...], (((0,), (1,)), ((), ())),
                         preferred_element_type=jnp.float32)
    out_ref[:, 0:_D] = fo * (1.0 / _L) + fb_ref[...]
    out_ref[:, _D:2 * _D] = no + nb_ref[...]


def kernel(ids, feats, layer_idx, node_table, node_fc_w, node_fc_b,
           feat_table, feat_fc_w, feat_fc_b):
    n_nodes = node_table.shape[0] - 1
    idx = jnp.where(layer_idx > 0, ids,
                    jnp.full_like(ids, n_nodes)).astype(jnp.int32)
    featsT = jnp.swapaxes(feats.astype(jnp.int32), 0, 1)
    ftabT = lax.bitcast_convert_type(
        jnp.swapaxes(feat_table.astype(jnp.bfloat16), 0, 1)
        .reshape(_D // 2, 2, _FV).swapaxes(1, 2),
        jnp.int32)
    node_t = jnp.swapaxes(node_table, 0, 1)
    zq = _node_zform(node_t).reshape(_D, _NVP)
    fsumT = _sc_pool(featsT, ftabT)
    nrow = _sc_node(idx, zq)
    out = pl.pallas_call(
        _tc_body,
        out_shape=jax.ShapeDtypeStruct((_B, 2 * _D), jnp.float32),
    )(fsumT, nrow, feat_fc_w, feat_fc_b.reshape(1, _D),
      node_fc_w, node_fc_b.reshape(1, _D))
    return out

# --- scband reference (transcript-rebuilt; emitter-appended) ---
"""Pipeline reference for scband-bag-of-words-prep-50491635532342 (READ-ONLY COPY).

The authoritative reference and input builder live on the scoring server;
editing this copy changes nothing except your own understanding.
"""

import jax, jax.numpy as jnp
import numpy as np

N_NODES = 100000
FEAT_VOCAB = 15000
EMBED_DIM = 32
OUT_DIM = 32
B = 4096
L = 200


def setup_inputs(seed: int = 0) -> dict:
    key = jax.random.key(seed)
    ks = jax.random.split(key, 8)
    ids = jax.random.randint(ks[0], (B,), 0, N_NODES, dtype=jnp.int64) if jax.config.jax_enable_x64 else jax.random.randint(ks[0], (B,), 0, N_NODES, dtype=jnp.int32)
    feats = jax.random.randint(ks[1], (B, L), 0, FEAT_VOCAB, dtype=jnp.int32)
    node_table = jax.random.normal(ks[2], (N_NODES + 1, EMBED_DIM), dtype=jnp.float32) * 0.02
    feat_table = jax.random.normal(ks[3], (FEAT_VOCAB, EMBED_DIM), dtype=jnp.float32) * 0.02
    node_fc_w = jax.random.normal(ks[4], (OUT_DIM, EMBED_DIM), dtype=jnp.float32) * 0.1
    node_fc_b = jnp.zeros((OUT_DIM,), dtype=jnp.float32)
    feat_fc_w = jax.random.normal(ks[5], (OUT_DIM, EMBED_DIM), dtype=jnp.float32) * 0.1
    feat_fc_b = jnp.zeros((OUT_DIM,), dtype=jnp.float32)
    return {
        'ids': ids,
        'feats': feats,
        'layer_idx': 0,
        'node_table': node_table,
        'node_fc_w': node_fc_w,
        'node_fc_b': node_fc_b,
        'feat_table': feat_table,
        'feat_fc_w': feat_fc_w,
        'feat_fc_b': feat_fc_b,
    }


def reference(ids, feats, layer_idx, node_table, node_fc_w, node_fc_b, feat_table, feat_fc_w, feat_fc_b):
    # node branch
    # ids.clone().data.zero_() + n_nodes -> constant index n_nodes
    idx = jnp.where(layer_idx > 0, ids, jnp.zeros_like(ids) + N_NODES)
    node_embs = jnp.take(node_table, idx, axis=0)
    node_embs = node_embs @ node_fc_w.T + node_fc_b
    # feature bag-of-words branch
    feat_embs = jnp.take(feat_table, feats, axis=0).mean(axis=1)
    feat_embs = feat_embs @ feat_fc_w.T + feat_fc_b
    return jnp.concatenate([feat_embs, node_embs], axis=1)

if __name__ == "__main__":
    import jax
    _d = setup_inputs()
    print(jax.jit(kernel)(*tuple(_d.values())))

</pallas_src>

<mosaic_0001>
#map = affine_map<(d0, d1) -> (0)>
#map1 = affine_map<(d0, d1) -> (0, 0)>
module attributes {stable_mosaic.version = 14 : i64} {
  func.func @_sc_node_body(%arg0: i32, %arg1: i32, %arg2: memref<4096xi32, #tpu.memory_space<hbm>>, %arg3: memref<32x100096xf32, #tpu.memory_space<hbm>>, %arg4: memref<32x4096xf32, #tpu.memory_space<hbm>>, %arg5: memref<4096xi32, #tpu.memory_space<vmem>>, %arg6: memref<100096xf32, #tpu.memory_space<vmem>>, %arg7: memref<4096xf32, #tpu.memory_space<vmem>>) attributes {dimension_semantics = [#tpu.dimension_semantics<core_parallel>, #tpu.dimension_semantics<subcore_parallel>], iteration_bounds = array<i64: 2, 16>, scalar_prefetch = 0 : i64, scratch_operands = 3 : i64, tpu.core_type = #tpu.core_type<sc_vector_subcore>, window_params = [{transform_indices = #map}, {transform_indices = #map1}, {transform_indices = #map1}]} {
    %mul3A = arith.constant 2 : i32
    %mul3A_0 = arith.muli %arg1, %mul3A : i32
    %add3A = arith.addi %mul3A_0, %arg0 : i32
    "tpu.region"() ({
      %run_scoped3A = tpu.sem_alloc : memref<!tpu.dma_semaphore, #tpu.memory_space<semaphore_mem>>
      %dma_start3A = arith.constant 0 : i32
      %dma_start3A_3 = tpu.memref_slice %arg3[%add3A, %dma_start3A] : memref<32x100096xf32, #tpu.memory_space<hbm>> -> memref<1x100096xf32, #tpu.memory_space<hbm>>
      %dma_start3A_4 = tpu.memref_squeeze %dma_start3A_3 : memref<1x100096xf32, #tpu.memory_space<hbm>> -> memref<100096xf32, #tpu.memory_space<hbm>>
      %dma_start3A_5 = arith.constant 0 : i32
      %dma_start3A_6 = tpu.memref_slice %arg3[%add3A, %dma_start3A_5] : memref<32x100096xf32, #tpu.memory_space<hbm>> -> memref<1x100096xf32, #tpu.memory_space<hbm>>
      %dma_start3A_7 = tpu.memref_squeeze %dma_start3A_6 : memref<1x100096xf32, #tpu.memory_space<hbm>> -> memref<100096xf32, #tpu.memory_space<hbm>>
      tpu.enqueue_dma source(%dma_start3A_7 : memref<100096xf32, #tpu.memory_space<hbm>>) target(%arg6 : memref<100096xf32, #tpu.memory_space<vmem>>) target_semaphore(%run_scoped3A : memref<!tpu.dma_semaphore, #tpu.memory_space<semaphore_mem>>)
      %dma_wait3A = arith.constant 0 : i32
      %dma_wait3A_8 = tpu.memref_slice %arg3[%add3A, %dma_wait3A] : memref<32x100096xf32, #tpu.memory_space<hbm>> -> memref<1x100096xf32, #tpu.memory_space<hbm>>
      %dma_wait3A_9 = tpu.memref_squeeze %dma_wait3A_8 : memref<1x100096xf32, #tpu.memory_space<hbm>> -> memref<100096xf32, #tpu.memory_space<hbm>>
      %dma_wait3A_10 = arith.constant 0 : i32
      %dma_wait3A_11 = tpu.memref_slice %arg3[%add3A, %dma_wait3A_10] : memref<32x100096xf32, #tpu.memory_space<hbm>> -> memref<1x100096xf32, #tpu.memory_space<hbm>>
      %dma_wait3A_12 = tpu.memref_squeeze %dma_wait3A_11 : memref<1x100096xf32, #tpu.memory_space<hbm>> -> memref<100096xf32, #tpu.memory_space<hbm>>
      tpu.wait_dma2 semaphore(%run_scoped3A : memref<!tpu.dma_semaphore, #tpu.memory_space<semaphore_mem>>) src(%dma_wait3A_12 : memref<100096xf32, #tpu.memory_space<hbm>>) dst(%arg6 : memref<100096xf32, #tpu.memory_space<vmem>>)
      tpu.yield
    }) : () -> ()
    "tpu.region"() ({
      %run_scoped3A = tpu.sem_alloc : memref<!tpu.dma_semaphore, #tpu.memory_space<semaphore_mem>>
      tpu.enqueue_dma source(%arg2 : memref<4096xi32, #tpu.memory_space<hbm>>) target(%arg5 : memref<4096xi32, #tpu.memory_space<vmem>>) target_semaphore(%run_scoped3A : memref<!tpu.dma_semaphore, #tpu.memory_space<semaphore_mem>>)
      tpu.wait_dma2 semaphore(%run_scoped3A : memref<!tpu.dma_semaphore, #tpu.memory_space<semaphore_mem>>) src(%arg2 : memref<4096xi32, #tpu.memory_space<hbm>>) dst(%arg5 : memref<4096xi32, #tpu.memory_space<vmem>>)
      tpu.yield
    }) : () -> ()
    %parallel_loop3A = arith.constant 0 : i32
    %parallel_loop3A_1 = arith.constant 256 : i32
    %parallel_loop3A_2 = arith.constant 1 : i32
    scf.for %parallel_loop3A_3 = %parallel_loop3A to %parallel_loop3A_1 step %parallel_loop3A_2  : i32 {
      %parallel_loop3A_4 = arith.constant 16 : i32
      %parallel_loop3A_5 = arith.muli %parallel_loop3A_4, %parallel_loop3A_3 : i32
      %parallel_loop3A_6 = arith.index_cast %parallel_loop3A_5 : i32 to index
      %parallel_loop3A_7 = tpu.vector_load %arg5[%parallel_loop3A_6] {strides = array<i32>} : memref<4096xi32, #tpu.memory_space<vmem>>, vector<16xi32>,
      %parallel_loop3A_8 = tpu.vector_load_idx %arg6[%parallel_loop3A_7] : memref<100096xf32, #tpu.memory_space<vmem>>[vector<16xi32>], vector<16xf32>,
      %parallel_loop3A_9 = arith.constant 16 : i32
      %parallel_loop3A_10 = arith.muli %parallel_loop3A_9, %parallel_loop3A_3 : i32
      %parallel_loop3A_11 = arith.index_cast %parallel_loop3A_10 : i32 to index
      %parallel_loop3A_12 = tpu.vector_load %arg7[%parallel_loop3A_11] {strides = array<i32>} : memref<4096xf32, #tpu.memory_space<vmem>>, vector<16xf32>,
      tpu.vector_store %arg7[%parallel_loop3A_11], %parallel_loop3A_8 {strides = array<i32>} : memref<4096xf32, #tpu.memory_space<vmem>>, vector<16xf32>,
    } {sc.loop_unroll_factor = 4 : i64, sc.parallel_access}
    "tpu.region"() ({
      %run_scoped3A = tpu.sem_alloc : memref<!tpu.dma_semaphore, #tpu.memory_space<semaphore_mem>>
      %dma_start3A = arith.constant 0 : i32
      %dma_start3A_3 = tpu.memref_slice %arg4[%add3A, %dma_start3A] : memref<32x4096xf32, #tpu.memory_space<hbm>> -> memref<1x4096xf32, #tpu.memory_space<hbm>>
      %dma_start3A_4 = tpu.memref_squeeze %dma_start3A_3 : memref<1x4096xf32, #tpu.memory_space<hbm>> -> memref<4096xf32, #tpu.memory_space<hbm>>
      %dma_start3A_5 = arith.constant 0 : i32
      %dma_start3A_6 = tpu.memref_slice %arg4[%add3A, %dma_start3A_5] : memref<32x4096xf32, #tpu.memory_space<hbm>> -> memref<1x4096xf32, #tpu.memory_space<hbm>>
      %dma_start3A_7 = tpu.memref_squeeze %dma_start3A_6 : memref<1x4096xf32, #tpu.memory_space<hbm>> -> memref<4096xf32, #tpu.memory_space<hbm>>
      tpu.enqueue_dma source(%arg7 : memref<4096xf32, #tpu.memory_space<vmem>>) target(%dma_start3A_7 : memref<4096xf32, #tpu.memory_space<hbm>>) target_semaphore(%run_scoped3A : memref<!tpu.dma_semaphore, #tpu.memory_space<semaphore_mem>>)
      %dma_wait3A = arith.constant 0 : i32
      %dma_wait3A_8 = tpu.memref_slice %arg4[%add3A, %dma_wait3A] : memref<32x4096xf32, #tpu.memory_space<hbm>> -> memref<1x4096xf32, #tpu.memory_space<hbm>>
      %dma_wait3A_9 = tpu.memref_squeeze %dma_wait3A_8 : memref<1x4096xf32, #tpu.memory_space<hbm>> -> memref<4096xf32, #tpu.memory_space<hbm>>
      %dma_wait3A_10 = arith.constant 0 : i32
      %dma_wait3A_11 = tpu.memref_slice %arg4[%add3A, %dma_wait3A_10] : memref<32x4096xf32, #tpu.memory_space<hbm>> -> memref<1x4096xf32, #tpu.memory_space<hbm>>
      %dma_wait3A_12 = tpu.memref_squeeze %dma_wait3A_11 : memref<1x4096xf32, #tpu.memory_space<hbm>> -> memref<4096xf32, #tpu.memory_space<hbm>>
      tpu.wait_dma2 semaphore(%run_scoped3A : memref<!tpu.dma_semaphore, #tpu.memory_space<semaphore_mem>>) src(%arg7 : memref<4096xf32, #tpu.memory_space<vmem>>) dst(%dma_wait3A_12 : memref<4096xf32, #tpu.memory_space<hbm>>)
      tpu.yield
    }) : () -> ()
    return
  }
}

#map = affine_map<(d0, d1) -> (0, 0)>
module attributes {stable_mosaic.version = 14 : i64} {
  func.func @_sc_body(%arg0: i32, %arg1: i32, %arg2: memref<200x4096xi32, #tpu.memory_space<hbm>>, %arg3: memref<16x15000xi32, #tpu.memory_space<hbm>>, %arg4: memref<32x4096xf32, #tpu.memory_space<hbm>>, %arg5: memref<2x15000xi32, #tpu.memory_space<vmem>>, %arg6: memref<2x200x64xi32, #tpu.memory_space<vmem>>, %arg7: memref<4x1024xf32, #tpu.memory_space<vmem>>, %arg8: memref<2x!tpu.dma_semaphore, #tpu.memory_space<semaphore_mem>>) attributes {dimension_semantics = [#tpu.dimension_semantics<core_parallel>, #tpu.dimension_semantics<subcore_parallel>], iteration_bounds = array<i64: 2, 16>, scalar_prefetch = 0 : i64, scratch_operands = 4 : i64, tpu.core_type = #tpu.core_type<sc_vector_subcore>, window_params = [{transform_indices = #map}, {transform_indices = #map}, {transform_indices = #map}]} {
    %mul3A = arith.constant 2 : i32
    %mul3A_0 = arith.muli %arg1, %mul3A : i32
    %add3A = arith.addi %mul3A_0, %arg0 : i32
    %jit3A = arith.constant 4 : i32
    %div3A = arith.divsi %add3A, %jit3A : i32
    %sign3A = arith.constant 0 : i32
    %sign3A_1 = arith.cmpi sgt, %add3A, %sign3A : i32
    %sign3A_2 = arith.extui %sign3A_1 : i1 to i32
    %sign3A_3 = arith.constant 0 : i32
    %sign3A_4 = arith.cmpi slt, %add3A, %sign3A_3 : i32
    %sign3A_5 = arith.extui %sign3A_4 : i1 to i32
    %sign3A_6 = arith.subi %sign3A_2, %sign3A_5 : i32
    %sign3A_7 = arith.constant 0 : i32
    %sign3A_8 = arith.cmpi sgt, %jit3A, %sign3A_7 : i32
    %sign3A_9 = arith.extui %sign3A_8 : i1 to i32
    %sign3A_10 = arith.constant 0 : i32
    %sign3A_11 = arith.cmpi slt, %jit3A, %sign3A_10 : i32
    %sign3A_12 = arith.extui %sign3A_11 : i1 to i32
    %sign3A_13 = arith.subi %sign3A_9, %sign3A_12 : i32
    %ne3A = arith.cmpi ne, %sign3A_6, %sign3A_13 : i32
    %rem3A = arith.remsi %add3A, %jit3A : i32
    %ne3A_14 = arith.constant 0 : i32
    %ne3A_15 = arith.cmpi ne, %rem3A, %ne3A_14 : i32
    %and3A = arith.andi %ne3A, %ne3A_15 : i1
    %sub3A = arith.constant 1 : i32
    %sub3A_16 = arith.subi %div3A, %sub3A : i32
    %select_n3A = arith.select %and3A, %sub3A_16, %div3A : i32
    %jit3A_17 = arith.constant 4 : i32
    %eq3A = arith.constant 0 : i32
    %eq3A_18 = arith.cmpi eq, %jit3A_17, %eq3A : i32
    %jit3A_19 = arith.constant 1 : i32
    %select_n3A_20 = arith.select %eq3A_18, %jit3A_19, %jit3A_17 : i32
    %rem3A_21 = arith.remsi %add3A, %select_n3A_20 : i32
    %ne3A_22 = arith.constant 0 : i32
    %ne3A_23 = arith.cmpi ne, %rem3A_21, %ne3A_22 : i32
    %lt3A = arith.constant 0 : i32
    %lt3A_24 = arith.cmpi slt, %rem3A_21, %lt3A : i32
    %lt3A_25 = arith.constant 0 : i32
    %lt3A_26 = arith.cmpi slt, %select_n3A_20, %lt3A_25 : i32
    %ne3A_27 = arith.xori %lt3A_24, %lt3A_26 : i1
    %and3A_28 = arith.andi %ne3A_27, %ne3A_23 : i1
    %add3A_29 = arith.addi %rem3A_21, %select_n3A_20 : i32
    %select_n3A_30 = arith.select %and3A_28, %add3A_29, %rem3A_21 : i32
    %mul3A_31 = arith.constant 2 : i32
    %mul3A_32 = arith.muli %mul3A_31, %select_n3A : i32
    "tpu.region"() ({
      %run_scoped3A = tpu.sem_alloc : memref<!tpu.dma_semaphore, #tpu.memory_space<semaphore_mem>>
      %dma_start3A_81 = arith.constant 0 : i32
      %dma_start3A_82 = tpu.memref_slice %arg3[%mul3A_32, %dma_start3A_81] : memref<16x15000xi32, #tpu.memory_space<hbm>> -> memref<2x15000xi32, #tpu.memory_space<hbm>>
      %dma_start3A_83 = arith.constant 0 : i32
      %dma_start3A_84 = tpu.memref_slice %arg3[%mul3A_32, %dma_start3A_83] : memref<16x15000xi32, #tpu.memory_space<hbm>> -> memref<2x15000xi32, #tpu.memory_space<hbm>>
      tpu.enqueue_dma source(%dma_start3A_84 : memref<2x15000xi32, #tpu.memory_space<hbm>>) target(%arg5 : memref<2x15000xi32, #tpu.memory_space<vmem>>) target_semaphore(%run_scoped3A : memref<!tpu.dma_semaphore, #tpu.memory_space<semaphore_mem>>)
      %dma_wait3A_85 = arith.constant 0 : i32
      %dma_wait3A_86 = tpu.memref_slice %arg3[%mul3A_32, %dma_wait3A_85] : memref<16x15000xi32, #tpu.memory_space<hbm>> -> memref<2x15000xi32, #tpu.memory_space<hbm>>
      %dma_wait3A_87 = arith.constant 0 : i32
      %dma_wait3A_88 = tpu.memref_slice %arg3[%mul3A_32, %dma_wait3A_87] : memref<16x15000xi32, #tpu.memory_space<hbm>> -> memref<2x15000xi32, #tpu.memory_space<hbm>>
      tpu.wait_dma2 semaphore(%run_scoped3A : memref<!tpu.dma_semaphore, #tpu.memory_space<semaphore_mem>>) src(%dma_wait3A_88 : memref<2x15000xi32, #tpu.memory_space<hbm>>) dst(%arg5 : memref<2x15000xi32, #tpu.memory_space<vmem>>)
      tpu.yield
    }) : () -> ()
    %min3A = arith.constant 0 : i32
    %min3A_33 = arith.constant 15 : i32
    %min3A_34 = arith.minsi %min3A, %min3A_33 : i32
    %mul3A_35 = arith.constant 1024 : i32
    %mul3A_36 = arith.muli %mul3A_35, %select_n3A_30 : i32
    %mul3A_37 = arith.constant 64 : i32
    %mul3A_38 = arith.muli %mul3A_37, %min3A_34 : i32
    %add3A_39 = arith.addi %mul3A_36, %mul3A_38 : i32
    %dma_start3A = arith.constant 0 : i32
    %dma_start3A_40 = arith.constant 0 : i32
    %dma_start3A_41 = arith.constant 0 : i32
    %dma_start3A_42 = arith.constant 0 : i32
    %dma_start3A_43 = tpu.memref_slice %arg6[%dma_start3A, %dma_start3A_41, %dma_start3A_42] : memref<2x200x64xi32, #tpu.memory_space<vmem>> -> memref<1x200x64xi32, #tpu.memory_space<vmem>>
    %dma_start3A_44 = tpu.memref_squeeze %dma_start3A_43 : memref<1x200x64xi32, #tpu.memory_space<vmem>> -> memref<200x64xi32, #tpu.memory_space<vmem>>
    %dma_start3A_45 = arith.constant 0 : i32
    %dma_start3A_46 = tpu.memref_slice %arg2[%dma_start3A_45, %add3A_39] : memref<200x4096xi32, #tpu.memory_space<hbm>> -> memref<200x64xi32, #tpu.memory_space<hbm>>
    %dma_start3A_47 = tpu.memref_slice %arg8[%dma_start3A_40] : memref<2x!tpu.dma_semaphore, #tpu.memory_space<semaphore_mem>> -> memref<1x!tpu.dma_semaphore, #tpu.memory_space<semaphore_mem>>
    %dma_start3A_48 = tpu.memref_squeeze %dma_start3A_47 : memref<1x!tpu.dma_semaphore, #tpu.memory_space<semaphore_mem>> -> memref<!tpu.dma_semaphore, #tpu.memory_space<semaphore_mem>>
    %dma_start3A_49 = arith.constant 0 : i32
    %dma_start3A_50 = arith.constant 0 : i32
    %dma_start3A_51 = tpu.memref_slice %arg6[%dma_start3A, %dma_start3A_49, %dma_start3A_50] : memref<2x200x64xi32, #tpu.memory_space<vmem>> -> memref<1x200x64xi32, #tpu.memory_space<vmem>>
    %dma_start3A_52 = tpu.memref_squeeze %dma_start3A_51 : memref<1x200x64xi32, #tpu.memory_space<vmem>> -> memref<200x64xi32, #tpu.memory_space<vmem>>
    %dma_start3A_53 = arith.constant 0 : i32
    %dma_start3A_54 = tpu.memref_slice %arg2[%dma_start3A_53, %add3A_39] : memref<200x4096xi32, #tpu.memory_space<hbm>> -> memref<200x64xi32, #tpu.memory_space<hbm>>
    tpu.enqueue_dma source(%dma_start3A_54 : memref<200x64xi32, #tpu.memory_space<hbm>>) target(%dma_start3A_52 : memref<200x64xi32, #tpu.memory_space<vmem>>) target_semaphore(%dma_start3A_48 : memref<!tpu.dma_semaphore, #tpu.memory_space<semaphore_mem>>)
    %scan3A = arith.constant 0 : i32
    %scan3A_55 = arith.constant 0 : i32
    %scan3A_56 = arith.constant 8 : i32
    %scan3A_57 = arith.addi %scan3A_55, %scan3A_56 : i32
    %scan3A_58 = arith.constant 1 : i32
    scf.for %scan3A_81 = %scan3A_55 to %scan3A_57 step %scan3A_58  : i32 {
      %mul3A_82 = arith.constant 2 : i32
      %mul3A_83 = arith.muli %mul3A_82, %scan3A_81 : i32
      %add3A_84 = arith.constant 1 : i32
      %add3A_85 = arith.addi %mul3A_83, %add3A_84 : i32
      %min3A_86 = arith.constant 15 : i32
      %min3A_87 = arith.minsi %add3A_85, %min3A_86 : i32
      %mul3A_88 = arith.constant 1024 : i32
      %mul3A_89 = arith.muli %mul3A_88, %select_n3A_30 : i32
      %mul3A_90 = arith.constant 64 : i32
      %mul3A_91 = arith.muli %mul3A_90, %min3A_87 : i32
      %add3A_92 = arith.addi %mul3A_89, %mul3A_91 : i32
      %dma_start3A_93 = arith.constant 1 : i32
      %dma_start3A_94 = arith.constant 1 : i32
      %dma_start3A_95 = arith.constant 0 : i32
      %dma_start3A_96 = arith.constant 0 : i32
      %dma_start3A_97 = tpu.memref_slice %arg6[%dma_start3A_93, %dma_start3A_95, %dma_start3A_96] : memref<2x200x64xi32, #tpu.memory_space<vmem>> -> memref<1x200x64xi32, #tpu.memory_space<vmem>>
      %dma_start3A_98 = tpu.memref_squeeze %dma_start3A_97 : memref<1x200x64xi32, #tpu.memory_space<vmem>> -> memref<200x64xi32, #tpu.memory_space<vmem>>
      %dma_start3A_99 = arith.constant 0 : i32
      %dma_start3A_100 = tpu.memref_slice %arg2[%dma_start3A_99, %add3A_92] : memref<200x4096xi32, #tpu.memory_space<hbm>> -> memref<200x64xi32, #tpu.memory_space<hbm>>
      %dma_start3A_101 = tpu.memref_slice %arg8[%dma_start3A_94] : memref<2x!tpu.dma_semaphore, #tpu.memory_space<semaphore_mem>> -> memref<1x!tpu.dma_semaphore, #tpu.memory_space<semaphore_mem>>
      %dma_start3A_102 = tpu.memref_squeeze %dma_start3A_101 : memref<1x!tpu.dma_semaphore, #tpu.memory_space<semaphore_mem>> -> memref<!tpu.dma_semaphore, #tpu.memory_space<semaphore_mem>>
      %dma_start3A_103 = arith.constant 0 : i32
      %dma_start3A_104 = arith.constant 0 : i32
      %dma_start3A_105 = tpu.memref_slice %arg6[%dma_start3A_93, %dma_start3A_103, %dma_start3A_104] : memref<2x200x64xi32, #tpu.memory_space<vmem>> -> memref<1x200x64xi32, #tpu.memory_space<vmem>>
      %dma_start3A_106 = tpu.memref_squeeze %dma_start3A_105 : memref<1x200x64xi32, #tpu.memory_space<vmem>> -> memref<200x64xi32, #tpu.memory_space<vmem>>
      %dma_start3A_107 = arith.constant 0 : i32
      %dma_start3A_108 = tpu.memref_slice %arg2[%dma_start3A_107, %add3A_92] : memref<200x4096xi32, #tpu.memory_space<hbm>> -> memref<200x64xi32, #tpu.memory_space<hbm>>
      tpu.enqueue_dma source(%dma_start3A_108 : memref<200x64xi32, #tpu.memory_space<hbm>>) target(%dma_start3A_106 : memref<200x64xi32, #tpu.memory_space<vmem>>) target_semaphore(%dma_start3A_102 : memref<!tpu.dma_semaphore, #tpu.memory_space<semaphore_mem>>)
      %dma_wait3A_109 = arith.constant 0 : i32
      %dma_wait3A_110 = arith.constant 0 : i32
      %dma_wait3A_111 = arith.constant 0 : i32
      %dma_wait3A_112 = arith.constant 0 : i32
      %dma_wait3A_113 = tpu.memref_slice %arg6[%dma_wait3A_109, %dma_wait3A_111, %dma_wait3A_112] : memref<2x200x64xi32, #tpu.memory_space<vmem>> -> memref<1x200x64xi32, #tpu.memory_space<vmem>>
      %dma_wait3A_114 = tpu.memref_squeeze %dma_wait3A_113 : memref<1x200x64xi32, #tpu.memory_space<vmem>> -> memref<200x64xi32, #tpu.memory_space<vmem>>
      %dma_wait3A_115 = arith.constant 0 : i32
      %dma_wait3A_116 = arith.constant 0 : i32
      %dma_wait3A_117 = tpu.memref_slice %arg2[%dma_wait3A_115, %dma_wait3A_116] : memref<200x4096xi32, #tpu.memory_space<hbm>> -> memref<200x64xi32, #tpu.memory_space<hbm>>
      %dma_wait3A_118 = tpu.memref_slice %arg8[%dma_wait3A_110] : memref<2x!tpu.dma_semaphore, #tpu.memory_space<semaphore_mem>> -> memref<1x!tpu.dma_semaphore, #tpu.memory_space<semaphore_mem>>
      %dma_wait3A_119 = tpu.memref_squeeze %dma_wait3A_118 : memref<1x!tpu.dma_semaphore, #tpu.memory_space<semaphore_mem>> -> memref<!tpu.dma_semaphore, #tpu.memory_space<semaphore_mem>>
      %dma_wait3A_120 = arith.constant 0 : i32
      %dma_wait3A_121 = arith.constant 0 : i32
      %dma_wait3A_122 = tpu.memref_slice %arg6[%dma_wait3A_109, %dma_wait3A_120, %dma_wait3A_121] : memref<2x200x64xi32, #tpu.memory_space<vmem>> -> memref<1x200x64xi32, #tpu.memory_space<vmem>>
      %dma_wait3A_123 = tpu.memref_squeeze %dma_wait3A_122 : memref<1x200x64xi32, #tpu.memory_space<vmem>> -> memref<200x64xi32, #tpu.memory_space<vmem>>
      %dma_wait3A_124 = arith.constant 0 : i32
      %dma_wait3A_125 = arith.constant 0 : i32
      %dma_wait3A_126 = tpu.memref_slice %arg2[%dma_wait3A_124, %dma_wait3A_125] : memref<200x4096xi32, #tpu.memory_space<hbm>> -> memref<200x64xi32, #tpu.memory_space<hbm>>
      tpu.wait_dma2 semaphore(%dma_wait3A_119 : memref<!tpu.dma_semaphore, #tpu.memory_space<semaphore_mem>>) src(%dma_wait3A_126 : memref<200x64xi32, #tpu.memory_space<hbm>>) dst(%dma_wait3A_123 : memref<200x64xi32, #tpu.memory_space<vmem>>)
      %broadcast_in_dim3A = arith.constant 0.000000e+00 : f32
      %broadcast_in_dim3A_127 = vector.broadcast %broadcast_in_dim3A : f32 to vector<16xf32>
      %parallel_loop3A = arith.constant 0 : i32
      %parallel_loop3A_128 = arith.constant 200 : i32
      %parallel_loop3A_129 = arith.constant 1 : i32
      %parallel_loop3A_130:16 = scf.for %parallel_loop3A_437 = %parallel_loop3A to %parallel_loop3A_128 step %parallel_loop3A_129 iter_args(%parallel_loop3A_438 = %broadcast_in_dim3A_127, %parallel_loop3A_439 = %broadcast_in_dim3A_127, %parallel_loop3A_440 = %broadcast_in_dim3A_127, %parallel_loop3A_441 = %broadcast_in_dim3A_127, %parallel_loop3A_442 = %broadcast_in_dim3A_127, %parallel_loop3A_443 = %broadcast_in_dim3A_127, %parallel_loop3A_444 = %broadcast_in_dim3A_127, %parallel_loop3A_445 = %broadcast_in_dim3A_127, %parallel_loop3A_446 = %broadcast_in_dim3A_127, %parallel_loop3A_447 = %broadcast_in_dim3A_127, %parallel_loop3A_448 = %broadcast_in_dim3A_127, %parallel_loop3A_449 = %broadcast_in_dim3A_127, %parallel_loop3A_450 = %broadcast_in_dim3A_127, %parallel_loop3A_451 = %broadcast_in_dim3A_127, %parallel_loop3A_452 = %broadcast_in_dim3A_127, %parallel_loop3A_453 = %broadcast_in_dim3A_127) -> (vector<16xf32>, vector<16xf32>, vector<16xf32>, vector<16xf32>, vector<16xf32>, vector<16xf32>, vector<16xf32>, vector<16xf32>, vector<16xf32>, vector<16xf32>, vector<16xf32>, vector<16xf32>, vector<16xf32>, vector<16xf32>, vector<16xf32>, vector<16xf32>)  : i32 {
        %parallel_loop3A_454 = arith.constant 0 : i32
        %parallel_loop3A_455 = arith.index_cast %parallel_loop3A_454 : i32 to index
        %parallel_loop3A_456 = arith.index_cast %parallel_loop3A_437 : i32 to index
        %parallel_loop3A_457 = arith.constant 0 : index
        %parallel_loop3A_458 = tpu.vector_load %arg6[%parallel_loop3A_455, %parallel_loop3A_456, %parallel_loop3A_457] {strides = array<i32>} : memref<2x200x64xi32, #tpu.memory_space<vmem>>, vector<16xi32>,
        %parallel_loop3A_459 = arith.constant 0 : i32
        %parallel_loop3A_460 = arith.constant 0 : i32
        %parallel_loop3A_461 = tpu.memref_slice %arg5[%parallel_loop3A_459, %parallel_loop3A_460] : memref<2x15000xi32, #tpu.memory_space<vmem>> -> memref<1x15000xi32, #tpu.memory_space<vmem>>
        %parallel_loop3A_462 = tpu.memref_squeeze %parallel_loop3A_461 : memref<1x15000xi32, #tpu.memory_space<vmem>> -> memref<15000xi32, #tpu.memory_space<vmem>>
        %parallel_loop3A_463 = tpu.vector_load_idx %parallel_loop3A_462[%parallel_loop3A_458] : memref<15000xi32, #tpu.memory_space<vmem>>[vector<16xi32>], vector<16xi32>,
        %parallel_loop3A_464 = vector.bitcast %parallel_loop3A_463 : vector<16xi32> to vector<32xbf16>
        %parallel_loop3A_465 = tpu.unpack_subelements %parallel_loop3A_464, 0 {pack_format = #tpu.pack_format<interleaved>} : vector<32xbf16> -> vector<16xf32>
        %parallel_loop3A_466 = tpu.unpack_subelements %parallel_loop3A_464, 1 {pack_format = #tpu.pack_format<interleaved>} : vector<32xbf16> -> vector<16xf32>
        %parallel_loop3A_467 = arith.addf %parallel_loop3A_438, %parallel_loop3A_465 : vector<16xf32>
        %parallel_loop3A_468 = arith.addf %parallel_loop3A_439, %parallel_loop3A_466 : vector<16xf32>
        %parallel_loop3A_469 = arith.constant 1 : i32
        %parallel_loop3A_470 = arith.constant 0 : i32
        %parallel_loop3A_471 = tpu.memref_slice %arg5[%parallel_loop3A_469, %parallel_loop3A_470] : memref<2x15000xi32, #tpu.memory_space<vmem>> -> memref<1x15000xi32, #tpu.memory_space<vmem>>
        %parallel_loop3A_472 = tpu.memref_squeeze %parallel_loop3A_471 : memref<1x15000xi32, #tpu.memory_space<vmem>> -> memref<15000xi32, #tpu.memory_space<vmem>>
        %parallel_loop3A_473 = tpu.vector_load_idx %parallel_loop3A_472[%parallel_loop3A_458] : memref<15000xi32, #tpu.memory_space<vmem>>[vector<16xi32>], vector<16xi32>,
        %parallel_loop3A_474 = vector.bitcast %parallel_loop3A_473 : vector<16xi32> to vector<32xbf16>
        %parallel_loop3A_475 = tpu.unpack_subelements %parallel_loop3A_474, 0 {pack_format = #tpu.pack_format<interleaved>} : vector<32xbf16> -> vector<16xf32>
        %parallel_loop3A_476 = tpu.unpack_subelements %parallel_loop3A_474, 1 {pack_format = #tpu.pack_format<interleaved>} : vector<32xbf16> -> vector<16xf32>
        %parallel_loop3A_477 = arith.addf %parallel_loop3A_440, %parallel_loop3A_475 : vector<16xf32>
        %parallel_loop3A_478 = arith.addf %parallel_loop3A_441, %parallel_loop3A_476 : vector<16xf32>
        %parallel_loop3A_479 = arith.constant 0 : i32
        %parallel_loop3A_480 = arith.index_cast %parallel_loop3A_479 : i32 to index
        %parallel_loop3A_481 = arith.index_cast %parallel_loop3A_437 : i32 to index
        %parallel_loop3A_482 = arith.constant 16 : index
        %parallel_loop3A_483 = tpu.vector_load %arg6[%parallel_loop3A_480, %parallel_loop3A_481, %parallel_loop3A_482] {strides = array<i32>} : memref<2x200x64xi32, #tpu.memory_space<vmem>>, vector<16xi32>,
        %parallel_loop3A_484 = arith.constant 0 : i32
        %parallel_loop3A_485 = arith.constant 0 : i32
        %parallel_loop3A_486 = tpu.memref_slice %arg5[%parallel_loop3A_484, %parallel_loop3A_485] : memref<2x15000xi32, #tpu.memory_space<vmem>> -> memref<1x15000xi32, #tpu.memory_space<vmem>>
        %parallel_loop3A_487 = tpu.memref_squeeze %parallel_loop3A_486 : memref<1x15000xi32, #tpu.memory_space<vmem>> -> memref<15000xi32, #tpu.memory_space<vmem>>
        %parallel_loop3A_488 = tpu.vector_load_idx %parallel_loop3A_487[%parallel_loop3A_483] : memref<15000xi32, #tpu.memory_space<vmem>>[vector<16xi32>], vector<16xi32>,
        %parallel_loop3A_489 = vector.bitcast %parallel_loop3A_488 : vector<16xi32> to vector<32xbf16>
        %parallel_loop3A_490 = tpu.unpack_subelements %parallel_loop3A_489, 0 {pack_format = #tpu.pack_format<interleaved>} : vector<32xbf16> -> vector<16xf32>
        %parallel_loop3A_491 = tpu.unpack_subelements %parallel_loop3A_489, 1 {pack_format = #tpu.pack_format<interleaved>} : vector<32xbf16> -> vector<16xf32>
        %parallel_loop3A_492 = arith.addf %parallel_loop3A_442, %parallel_loop3A_490 : vector<16xf32>
        %parallel_loop3A_493 = arith.addf %parallel_loop3A_443, %parallel_loop3A_491 : vector<16xf32>
        %parallel_loop3A_494 = arith.constant 1 : i32
        %parallel_loop3A_495 = arith.constant 0 : i32
        %parallel_loop3A_496 = tpu.memref_slice %arg5[%parallel_loop3A_494, %parallel_loop3A_495] : memref<2x15000xi32, #tpu.memory_space<vmem>> -> memref<1x15000xi32, #tpu.memory_space<vmem>>
        %parallel_loop3A_497 = tpu.memref_squeeze %parallel_loop3A_496 : memref<1x15000xi32, #tpu.memory_space<vmem>> -> memref<15000xi32, #tpu.memory_space<vmem>>
        %parallel_loop3A_498 = tpu.vector_load_idx %parallel_loop3A_497[%parallel_loop3A_483] : memref<15000xi32, #tpu.memory_space<vmem>>[vector<16xi32>], vector<16xi32>,
        %parallel_loop3A_499 = vector.bitcast %parallel_loop3A_498 : vector<16xi32> to vector<32xbf16>
        %parallel_loop3A_500 = tpu.unpack_subelements %parallel_loop3A_499, 0 {pack_format = #tpu.pack_format<interleaved>} : vector<32xbf16> -> vector<16xf32>
        %parallel_loop3A_501 = tpu.unpack_subelements %parallel_loop3A_499, 1 {pack_format = #tpu.pack_format<interleaved>} : vector<32xbf16> -> vector<16xf32>
        %parallel_loop3A_502 = arith.addf %parallel_loop3A_444, %parallel_loop3A_500 : vector<16xf32>
        %parallel_loop3A_503 = arith.addf %parallel_loop3A_445, %parallel_loop3A_501 : vector<16xf32>
        %parallel_loop3A_504 = arith.constant 0 : i32
        %parallel_loop3A_505 = arith.index_cast %parallel_loop3A_504 : i32 to index
        %parallel_loop3A_506 = arith.index_cast %parallel_loop3A_437 : i32 to index
        %parallel_loop3A_507 = arith.constant 32 : index
        %parallel_loop3A_508 = tpu.vector_load %arg6[%parallel_loop3A_505, %parallel_loop3A_506, %parallel_loop3A_507] {strides = array<i32>} : memref<2x200x64xi32, #tpu.memory_space<vmem>>, vector<16xi32>,
        %parallel_loop3A_509 = arith.constant 0 : i32
        %parallel_loop3A_510 = arith.constant 0 : i32
        %parallel_loop3A_511 = tpu.memref_slice %arg5[%parallel_loop3A_509, %parallel_loop3A_510] : memref<2x15000xi32, #tpu.memory_space<vmem>> -> memref<1x15000xi32, #tpu.memory_space<vmem>>
        %parallel_loop3A_512 = tpu.memref_squeeze %parallel_loop3A_511 : memref<1x15000xi32, #tpu.memory_space<vmem>> -> memref<15000xi32, #tpu.memory_space<vmem>>
        %parallel_loop3A_513 = tpu.vector_load_idx %parallel_loop3A_512[%parallel_loop3A_508] : memref<15000xi32, #tpu.memory_space<vmem>>[vector<16xi32>], vector<16xi32>,
        %parallel_loop3A_514 = vector.bitcast %parallel_loop3A_513 : vector<16xi32> to vector<32xbf16>
        %parallel_loop3A_515 = tpu.unpack_subelements %parallel_loop3A_514, 0 {pack_format = #tpu.pack_format<interleaved>} : vector<32xbf16> -> vector<16xf32>
        %parallel_loop3A_516 = tpu.unpack_subelements %parallel_loop3A_514, 1 {pack_format = #tpu.pack_format<interleaved>} : vector<32xbf16> -> vector<16xf32>
        %parallel_loop3A_517 = arith.addf %parallel_loop3A_446, %parallel_loop3A_515 : vector<16xf32>
        %parallel_loop3A_518 = arith.addf %parallel_loop3A_447, %parallel_loop3A_516 : vector<16xf32>
        %parallel_loop3A_519 = arith.constant 1 : i32
        %parallel_loop3A_520 = arith.constant 0 : i32
        %parallel_loop3A_521 = tpu.memref_slice %arg5[%parallel_loop3A_519, %parallel_loop3A_520] : memref<2x15000xi32, #tpu.memory_space<vmem>> -> memref<1x15000xi32, #tpu.memory_space<vmem>>
        %parallel_loop3A_522 = tpu.memref_squeeze %parallel_loop3A_521 : memref<1x15000xi32, #tpu.memory_space<vmem>> -> memref<15000xi32, #tpu.memory_space<vmem>>
        %parallel_loop3A_523 = tpu.vector_load_idx %parallel_loop3A_522[%parallel_loop3A_508] : memref<15000xi32, #tpu.memory_space<vmem>>[vector<16xi32>], vector<16xi32>,
        %parallel_loop3A_524 = vector.bitcast %parallel_loop3A_523 : vector<16xi32> to vector<32xbf16>
        %parallel_loop3A_525 = tpu.unpack_subelements %parallel_loop3A_524, 0 {pack_format = #tpu.pack_format<interleaved>} : vector<32xbf16> -> vector<16xf32>
        %parallel_loop3A_526 = tpu.unpack_subelements %parallel_loop3A_524, 1 {pack_format = #tpu.pack_format<interleaved>} : vector<32xbf16> -> vector<16xf32>
        %parallel_loop3A_527 = arith.addf %parallel_loop3A_448, %parallel_loop3A_525 : vector<16xf32>
        %parallel_loop3A_528 = arith.addf %parallel_loop3A_449, %parallel_loop3A_526 : vector<16xf32>
        %parallel_loop3A_529 = arith.constant 0 : i32
        %parallel_loop3A_530 = arith.index_cast %parallel_loop3A_529 : i32 to index
        %parallel_loop3A_531 = arith.index_cast %parallel_loop3A_437 : i32 to index
        %parallel_loop3A_532 = arith.constant 48 : index
        %parallel_loop3A_533 = tpu.vector_load %arg6[%parallel_loop3A_530, %parallel_loop3A_531, %parallel_loop3A_532] {strides = array<i32>} : memref<2x200x64xi32, #tpu.memory_space<vmem>>, vector<16xi32>,
        %parallel_loop3A_534 = arith.constant 0 : i32
        %parallel_loop3A_535 = arith.constant 0 : i32
        %parallel_loop3A_536 = tpu.memref_slice %arg5[%parallel_loop3A_534, %parallel_loop3A_535] : memref<2x15000xi32, #tpu.memory_space<vmem>> -> memref<1x15000xi32, #tpu.memory_space<vmem>>
        %parallel_loop3A_537 = tpu.memref_squeeze %parallel_loop3A_536 : memref<1x15000xi32, #tpu.memory_space<vmem>> -> memref<15000xi32, #tpu.memory_space<vmem>>
        %parallel_loop3A_538 = tpu.vector_load_idx %parallel_loop3A_537[%parallel_loop3A_533] : memref<15000xi32, #tpu.memory_space<vmem>>[vector<16xi32>], vector<16xi32>,
        %parallel_loop3A_539 = vector.bitcast %parallel_loop3A_538 : vector<16xi32> to vector<32xbf16>
        %parallel_loop3A_540 = tpu.unpack_subelements %parallel_loop3A_539, 0 {pack_format = #tpu.pack_format<interleaved>} : vector<32xbf16> -> vector<16xf32>
        %parallel_loop3A_541 = tpu.unpack_subelements %parallel_loop3A_539, 1 {pack_format = #tpu.pack_format<interleaved>} : vector<32xbf16> -> vector<16xf32>
        %parallel_loop3A_542 = arith.addf %parallel_loop3A_450, %parallel_loop3A_540 : vector<16xf32>
        %parallel_loop3A_543 = arith.addf %parallel_loop3A_451, %parallel_loop3A_541 : vector<16xf32>
        %parallel_loop3A_544 = arith.constant 1 : i32
        %parallel_loop3A_545 = arith.constant 0 : i32
        %parallel_loop3A_546 = tpu.memref_slice %arg5[%parallel_loop3A_544, %parallel_loop3A_545] : memref<2x15000xi32, #tpu.memory_space<vmem>> -> memref<1x15000xi32, #tpu.memory_space<vmem>>
        %parallel_loop3A_547 = tpu.memref_squeeze %parallel_loop3A_546 : memref<1x15000xi32, #tpu.memory_space<vmem>> -> memref<15000xi32, #tpu.memory_space<vmem>>
        %parallel_loop3A_548 = tpu.vector_load_idx %parallel_loop3A_547[%parallel_loop3A_533] : memref<15000xi32, #tpu.memory_space<vmem>>[vector<16xi32>], vector<16xi32>,
        %parallel_loop3A_549 = vector.bitcast %parallel_loop3A_548 : vector<16xi32> to vector<32xbf16>
        %parallel_loop3A_550 = tpu.unpack_subelements %parallel_loop3A_549, 0 {pack_format = #tpu.pack_format<interleaved>} : vector<32xbf16> -> vector<16xf32>
        %parallel_loop3A_551 = tpu.unpack_subelements %parallel_loop3A_549, 1 {pack_format = #tpu.pack_format<interleaved>} : vector<32xbf16> -> vector<16xf32>
        %parallel_loop3A_552 = arith.addf %parallel_loop3A_452, %parallel_loop3A_550 : vector<16xf32>
        %parallel_loop3A_553 = arith.addf %parallel_loop3A_453, %parallel_loop3A_551 : vector<16xf32>
        scf.yield %parallel_loop3A_467, %parallel_loop3A_468, %parallel_loop3A_477, %parallel_loop3A_478, %parallel_loop3A_492, %parallel_loop3A_493, %parallel_loop3A_502, %parallel_loop3A_503, %parallel_loop3A_517, %parallel_loop3A_518, %parallel_loop3A_527, %parallel_loop3A_528, %parallel_loop3A_542, %parallel_loop3A_543, %parallel_loop3A_552, %parallel_loop3A_553 : vector<16xf32>, vector<16xf32>, vector<16xf32>, vector<16xf32>, vector<16xf32>, vector<16xf32>, vector<16xf32>, vector<16xf32>, vector<16xf32>, vector<16xf32>, vector<16xf32>, vector<16xf32>, vector<16xf32>, vector<16xf32>, vector<16xf32>, vector<16xf32>
      } {sc.loop_unroll_factor = 4 : i64, sc.parallel_access}
      %mul3A_131 = arith.constant 64 : i32
      %mul3A_132 = arith.muli %mul3A_131, %mul3A_83 : i32
      %add3A_133 = arith.constant 0 : i32
      %add3A_134 = arith.addi %mul3A_132, %add3A_133 : i32
      %swap3A = arith.constant 0 : i32
      %swap3A_135 = arith.index_cast %swap3A : i32 to index
      %swap3A_136 = arith.index_cast %add3A_134 : i32 to index
      %swap3A_137 = tpu.vector_load %arg7[%swap3A_135, %swap3A_136] {strides = array<i32>} : memref<4x1024xf32, #tpu.memory_space<vmem>>, vector<16xf32>,
      tpu.vector_store %arg7[%swap3A_135, %swap3A_136], %parallel_loop3A_130#0 {strides = array<i32>} : memref<4x1024xf32, #tpu.memory_space<vmem>>, vector<16xf32>,
      %mul3A_138 = arith.constant 64 : i32
      %mul3A_139 = arith.muli %mul3A_138, %mul3A_83 : i32
      %add3A_140 = arith.constant 0 : i32
      %add3A_141 = arith.addi %mul3A_139, %add3A_140 : i32
      %swap3A_142 = arith.constant 1 : i32
      %swap3A_143 = arith.index_cast %swap3A_142 : i32 to index
      %swap3A_144 = arith.index_cast %add3A_141 : i32 to index
      %swap3A_145 = tpu.vector_load %arg7[%swap3A_143, %swap3A_144] {strides = array<i32>} : memref<4x1024xf32, #tpu.memory_space<vmem>>, vector<16xf32>,
      tpu.vector_store %arg7[%swap3A_143, %swap3A_144], %parallel_loop3A_130#1 {strides = array<i32>} : memref<4x1024xf32, #tpu.memory_space<vmem>>, vector<16xf32>,
      %mul3A_146 = arith.constant 64 : i32
      %mul3A_147 = arith.muli %mul3A_146, %mul3A_83 : i32
      %add3A_148 = arith.constant 0 : i32
      %add3A_149 = arith.addi %mul3A_147, %add3A_148 : i32
      %swap3A_150 = arith.constant 2 : i32
      %swap3A_151 = arith.index_cast %swap3A_150 : i32 to index
      %swap3A_152 = arith.index_cast %add3A_149 : i32 to index
      %swap3A_153 = tpu.vector_load %arg7[%swap3A_151, %swap3A_152] {strides = array<i32>} : memref<4x1024xf32, #tpu.memory_space<vmem>>, vector<16xf32>,
      tpu.vector_store %arg7[%swap3A_151, %swap3A_152], %parallel_loop3A_130#2 {strides = array<i32>} : memref<4x1024xf32, #tpu.memory_space<vmem>>, vector<16xf32>,
      %mul3A_154 = arith.constant 64 : i32
      %mul3A_155 = arith.muli %mul3A_154, %mul3A_83 : i32
      %add3A_156 = arith.constant 0 : i32
      %add3A_157 = arith.addi %mul3A_155, %add3A_156 : i32
      %swap3A_158 = arith.constant 3 : i32
      %swap3A_159 = arith.index_cast %swap3A_158 : i32 to index
      %swap3A_160 = arith.index_cast %add3A_157 : i32 to index
      %swap3A_161 = tpu.vector_load %arg7[%swap3A_159, %swap3A_160] {strides = array<i32>} : memref<4x1024xf32, #tpu.memory_space<vmem>>, vector<16xf32>,
      tpu.vector_store %arg7[%swap3A_159, %swap3A_160], %parallel_loop3A_130#3 {strides = array<i32>} : memref<4x1024xf32, #tpu.memory_space<vmem>>, vector<16xf32>,
      %mul3A_162 = arith.constant 64 : i32
      %mul3A_163 = arith.muli %mul3A_162, %mul3A_83 : i32
      %add3A_164 = arith.constant 16 : i32
      %add3A_165 = arith.addi %mul3A_163, %add3A_164 : i32
      %swap3A_166 = arith.constant 0 : i32
      %swap3A_167 = arith.index_cast %swap3A_166 : i32 to index
      %swap3A_168 = arith.index_cast %add3A_165 : i32 to index
      %swap3A_169 = tpu.vector_load %arg7[%swap3A_167, %swap3A_168] {strides = array<i32>} : memref<4x1024xf32, #tpu.memory_space<vmem>>, vector<16xf32>,
      tpu.vector_store %arg7[%swap3A_167, %swap3A_168], %parallel_loop3A_130#4 {strides = array<i32>} : memref<4x1024xf32, #tpu.memory_space<vmem>>, vector<16xf32>,
      %mul3A_170 = arith.constant 64 : i32
      %mul3A_171 = arith.muli %mul3A_170, %mul3A_83 : i32
      %add3A_172 = arith.constant 16 : i32
      %add3A_173 = arith.addi %mul3A_171, %add3A_172 : i32
      %swap3A_174 = arith.constant 1 : i32
      %swap3A_175 = arith.index_cast %swap3A_174 : i32 to index
      %swap3A_176 = arith.index_cast %add3A_173 : i32 to index
      %swap3A_177 = tpu.vector_load %arg7[%swap3A_175, %swap3A_176] {strides = array<i32>} : memref<4x1024xf32, #tpu.memory_space<vmem>>, vector<16xf32>,
      tpu.vector_store %arg7[%swap3A_175, %swap3A_176], %parallel_loop3A_130#5 {strides = array<i32>} : memref<4x1024xf32, #tpu.memory_space<vmem>>, vector<16xf32>,
      %mul3A_178 = arith.constant 64 : i32
      %mul3A_179 = arith.muli %mul3A_178, %mul3A_83 : i32
      %add3A_180 = arith.constant 16 : i32
      %add3A_181 = arith.addi %mul3A_179, %add3A_180 : i32
      %swap3A_182 = arith.constant 2 : i32
      %swap3A_183 = arith.index_cast %swap3A_182 : i32 to index
      %swap3A_184 = arith.index_cast %add3A_181 : i32 to index
      %swap3A_185 = tpu.vector_load %arg7[%swap3A_183, %swap3A_184] {strides = array<i32>} : memref<4x1024xf32, #tpu.memory_space<vmem>>, vector<16xf32>,
      tpu.vector_store %arg7[%swap3A_183, %swap3A_184], %parallel_loop3A_130#6 {strides = array<i32>} : memref<4x1024xf32, #tpu.memory_space<vmem>>, vector<16xf32>,
      %mul3A_186 = arith.constant 64 : i32
      %mul3A_187 = arith.muli %mul3A_186, %mul3A_83 : i32
      %add3A_188 = arith.constant 16 : i32
      %add3A_189 = arith.addi %mul3A_187, %add3A_188 : i32
      %swap3A_190 = arith.constant 3 : i32
      %swap3A_191 = arith.index_cast %swap3A_190 : i32 to index
      %swap3A_192 = arith.index_cast %add3A_189 : i32 to index
      %swap3A_193 = tpu.vector_load %arg7[%swap3A_191, %swap3A_192] {strides = array<i32>} : memref<4x1024xf32, #tpu.memory_space<vmem>>, vector<16xf32>,
      tpu.vector_store %arg7[%swap3A_191, %swap3A_192], %parallel_loop3A_130#7 {strides = array<i32>} : memref<4x1024xf32, #tpu.memory_space<vmem>>, vector<16xf32>,
      %mul3A_194 = arith.constant 64 : i32
      %mul3A_195 = arith.muli %mul3A_194, %mul3A_83 : i32
      %add3A_196 = arith.constant 32 : i32
      %add3A_197 = arith.addi %mul3A_195, %add3A_196 : i32
      %swap3A_198 = arith.constant 0 : i32
      %swap3A_199 = arith.index_cast %swap3A_198 : i32 to index
      %swap3A_200 = arith.index_cast %add3A_197 : i32 to index
      %swap3A_201 = tpu.vector_load %arg7[%swap3A_199, %swap3A_200] {strides = array<i32>} : memref<4x1024xf32, #tpu.memory_space<vmem>>, vector<16xf32>,
      tpu.vector_store %arg7[%swap3A_199, %swap3A_200], %parallel_loop3A_130#8 {strides = array<i32>} : memref<4x1024xf32, #tpu.memory_space<vmem>>, vector<16xf32>,
      %mul3A_202 = arith.constant 64 : i32
      %mul3A_203 = arith.muli %mul3A_202, %mul3A_83 : i32
      %add3A_204 = arith.constant 32 : i32
      %add3A_205 = arith.addi %mul3A_203, %add3A_204 : i32
      %swap3A_206 = arith.constant 1 : i32
      %swap3A_207 = arith.index_cast %swap3A_206 : i32 to index
      %swap3A_208 = arith.index_cast %add3A_205 : i32 to index
      %swap3A_209 = tpu.vector_load %arg7[%swap3A_207, %swap3A_208] {strides = array<i32>} : memref<4x1024xf32, #tpu.memory_space<vmem>>, vector<16xf32>,
      tpu.vector_store %arg7[%swap3A_207, %swap3A_208], %parallel_loop3A_130#9 {strides = array<i32>} : memref<4x1024xf32, #tpu.memory_space<vmem>>, vector<16xf32>,
      %mul3A_210 = arith.constant 64 : i32
      %mul3A_211 = arith.muli %mul3A_210, %mul3A_83 : i32
      %add3A_212 = arith.constant 32 : i32
      %add3A_213 = arith.addi %mul3A_211, %add3A_212 : i32
      %swap3A_214 = arith.constant 2 : i32
      %swap3A_215 = arith.index_cast %swap3A_214 : i32 to index
      %swap3A_216 = arith.index_cast %add3A_213 : i32 to index
      %swap3A_217 = tpu.vector_load %arg7[%swap3A_215, %swap3A_216] {strides = array<i32>} : memref<4x1024xf32, #tpu.memory_space<vmem>>, vector<16xf32>,
      tpu.vector_store %arg7[%swap3A_215, %swap3A_216], %parallel_loop3A_130#10 {strides = array<i32>} : memref<4x1024xf32, #tpu.memory_space<vmem>>, vector<16xf32>,
      %mul3A_218 = arith.constant 64 : i32
      %mul3A_219 = arith.muli %mul3A_218, %mul3A_83 : i32
      %add3A_220 = arith.constant 32 : i32
      %add3A_221 = arith.addi %mul3A_219, %add3A_220 : i32
      %swap3A_222 = arith.constant 3 : i32
      %swap3A_223 = arith.index_cast %swap3A_222 : i32 to index
      %swap3A_224 = arith.index_cast %add3A_221 : i32 to index
      %swap3A_225 = tpu.vector_load %arg7[%swap3A_223, %swap3A_224] {strides = array<i32>} : memref<4x1024xf32, #tpu.memory_space<vmem>>, vector<16xf32>,
      tpu.vector_store %arg7[%swap3A_223, %swap3A_224], %parallel_loop3A_130#11 {strides = array<i32>} : memref<4x1024xf32, #tpu.memory_space<vmem>>, vector<16xf32>,
      %mul3A_226 = arith.constant 64 : i32
      %mul3A_227 = arith.muli %mul3A_226, %mul3A_83 : i32
      %add3A_228 = arith.constant 48 : i32
      %add3A_229 = arith.addi %mul3A_227, %add3A_228 : i32
      %swap3A_230 = arith.constant 0 : i32
      %swap3A_231 = arith.index_cast %swap3A_230 : i32 to index
      %swap3A_232 = arith.index_cast %add3A_229 : i32 to index
      %swap3A_233 = tpu.vector_load %arg7[%swap3A_231, %swap3A_232] {strides = array<i32>} : memref<4x1024xf32, #tpu.memory_space<vmem>>, vector<16xf32>,
      tpu.vector_store %arg7[%swap3A_231, %swap3A_232], %parallel_loop3A_130#12 {strides = array<i32>} : memref<4x1024xf32, #tpu.memory_space<vmem>>, vector<16xf32>,
      %mul3A_234 = arith.constant 64 : i32
      %mul3A_235 = arith.muli %mul3A_234, %mul3A_83 : i32
      %add3A_236 = arith.constant 48 : i32
      %add3A_237 = arith.addi %mul3A_235, %add3A_236 : i32
      %swap3A_238 = arith.constant 1 : i32
      %swap3A_239 = arith.index_cast %swap3A_238 : i32 to index
      %swap3A_240 = arith.index_cast %add3A_237 : i32 to index
      %swap3A_241 = tpu.vector_load %arg7[%swap3A_239, %swap3A_240] {strides = array<i32>} : memref<4x1024xf32, #tpu.memory_space<vmem>>, vector<16xf32>,
      tpu.vector_store %arg7[%swap3A_239, %swap3A_240], %parallel_loop3A_130#13 {strides = array<i32>} : memref<4x1024xf32, #tpu.memory_space<vmem>>, vector<16xf32>,
      %mul3A_242 = arith.constant 64 : i32
      %mul3A_243 = arith.muli %mul3A_242, %mul3A_83 : i32
      %add3A_244 = arith.constant 48 : i32
      %add3A_245 = arith.addi %mul3A_243, %add3A_244 : i32
      %swap3A_246 = arith.constant 2 : i32
      %swap3A_247 = arith.index_cast %swap3A_246 : i32 to index
      %swap3A_248 = arith.index_cast %add3A_245 : i32 to index
      %swap3A_249 = tpu.vector_load %arg7[%swap3A_247, %swap3A_248] {strides = array<i32>} : memref<4x1024xf32, #tpu.memory_space<vmem>>, vector<16xf32>,
      tpu.vector_store %arg7[%swap3A_247, %swap3A_248], %parallel_loop3A_130#14 {strides = array<i32>} : memref<4x1024xf32, #tpu.memory_space<vmem>>, vector<16xf32>,
      %mul3A_250 = arith.constant 64 : i32
      %mul3A_251 = arith.muli %mul3A_250, %mul3A_83 : i32
      %add3A_252 = arith.constant 48 : i32
      %add3A_253 = arith.addi %mul3A_251, %add3A_252 : i32
      %swap3A_254 = arith.constant 3 : i32
      %swap3A_255 = arith.index_cast %swap3A_254 : i32 to index
      %swap3A_256 = arith.index_cast %add3A_253 : i32 to index
      %swap3A_257 = tpu.vector_load %arg7[%swap3A_255, %swap3A_256] {strides = array<i32>} : memref<4x1024xf32, #tpu.memory_space<vmem>>, vector<16xf32>,
      tpu.vector_store %arg7[%swap3A_255, %swap3A_256], %parallel_loop3A_130#15 {strides = array<i32>} : memref<4x1024xf32, #tpu.memory_space<vmem>>, vector<16xf32>,
      %add3A_258 = arith.constant 2 : i32
      %add3A_259 = arith.addi %mul3A_83, %add3A_258 : i32
      %min3A_260 = arith.constant 15 : i32
      %min3A_261 = arith.minsi %add3A_259, %min3A_260 : i32
      %mul3A_262 = arith.constant 1024 : i32
      %mul3A_263 = arith.muli %mul3A_262, %select_n3A_30 : i32
      %mul3A_264 = arith.constant 64 : i32
      %mul3A_265 = arith.muli %mul3A_264, %min3A_261 : i32
      %add3A_266 = arith.addi %mul3A_263, %mul3A_265 : i32
      %dma_start3A_267 = arith.constant 0 : i32
      %dma_start3A_268 = arith.constant 0 : i32
      %dma_start3A_269 = arith.constant 0 : i32
      %dma_start3A_270 = arith.constant 0 : i32
      %dma_start3A_271 = tpu.memref_slice %arg6[%dma_start3A_267, %dma_start3A_269, %dma_start3A_270] : memref<2x200x64xi32, #tpu.memory_space<vmem>> -> memref<1x200x64xi32, #tpu.memory_space<vmem>>
      %dma_start3A_272 = tpu.memref_squeeze %dma_start3A_271 : memref<1x200x64xi32, #tpu.memory_space<vmem>> -> memref<200x64xi32, #tpu.memory_space<vmem>>
      %dma_start3A_273 = arith.constant 0 : i32
      %dma_start3A_274 = tpu.memref_slice %arg2[%dma_start3A_273, %add3A_266] : memref<200x4096xi32, #tpu.memory_space<hbm>> -> memref<200x64xi32, #tpu.memory_space<hbm>>
      %dma_start3A_275 = tpu.memref_slice %arg8[%dma_start3A_268] : memref<2x!tpu.dma_semaphore, #tpu.memory_space<semaphore_mem>> -> memref<1x!tpu.dma_semaphore, #tpu.memory_space<semaphore_mem>>
      %dma_start3A_276 = tpu.memref_squeeze %dma_start3A_275 : memref<1x!tpu.dma_semaphore, #tpu.memory_space<semaphore_mem>> -> memref<!tpu.dma_semaphore, #tpu.memory_space<semaphore_mem>>
      %dma_start3A_277 = arith.constant 0 : i32
      %dma_start3A_278 = arith.constant 0 : i32
      %dma_start3A_279 = tpu.memref_slice %arg6[%dma_start3A_267, %dma_start3A_277, %dma_start3A_278] : memref<2x200x64xi32, #tpu.memory_space<vmem>> -> memref<1x200x64xi32, #tpu.memory_space<vmem>>
      %dma_start3A_280 = tpu.memref_squeeze %dma_start3A_279 : memref<1x200x64xi32, #tpu.memory_space<vmem>> -> memref<200x64xi32, #tpu.memory_space<vmem>>
      %dma_start3A_281 = arith.constant 0 : i32
      %dma_start3A_282 = tpu.memref_slice %arg2[%dma_start3A_281, %add3A_266] : memref<200x4096xi32, #tpu.memory_space<hbm>> -> memref<200x64xi32, #tpu.memory_space<hbm>>
      tpu.enqueue_dma source(%dma_start3A_282 : memref<200x64xi32, #tpu.memory_space<hbm>>) target(%dma_start3A_280 : memref<200x64xi32, #tpu.memory_space<vmem>>) target_semaphore(%dma_start3A_276 : memref<!tpu.dma_semaphore, #tpu.memory_space<semaphore_mem>>)
      %dma_wait3A_283 = arith.constant 1 : i32
      %dma_wait3A_284 = arith.constant 1 : i32
      %dma_wait3A_285 = arith.constant 0 : i32
      %dma_wait3A_286 = arith.constant 0 : i32
      %dma_wait3A_287 = tpu.memref_slice %arg6[%dma_wait3A_283, %dma_wait3A_285, %dma_wait3A_286] : memref<2x200x64xi32, #tpu.memory_space<vmem>> -> memref<1x200x64xi32, #tpu.memory_space<vmem>>
      %dma_wait3A_288 = tpu.memref_squeeze %dma_wait3A_287 : memref<1x200x64xi32, #tpu.memory_space<vmem>> -> memref<200x64xi32, #tpu.memory_space<vmem>>
      %dma_wait3A_289 = arith.constant 0 : i32
      %dma_wait3A_290 = arith.constant 0 : i32
      %dma_wait3A_291 = tpu.memref_slice %arg2[%dma_wait3A_289, %dma_wait3A_290] : memref<200x4096xi32, #tpu.memory_space<hbm>> -> memref<200x64xi32, #tpu.memory_space<hbm>>
      %dma_wait3A_292 = tpu.memref_slice %arg8[%dma_wait3A_284] : memref<2x!tpu.dma_semaphore, #tpu.memory_space<semaphore_mem>> -> memref<1x!tpu.dma_semaphore, #tpu.memory_space<semaphore_mem>>
      %dma_wait3A_293 = tpu.memref_squeeze %dma_wait3A_292 : memref<1x!tpu.dma_semaphore, #tpu.memory_space<semaphore_mem>> -> memref<!tpu.dma_semaphore, #tpu.memory_space<semaphore_mem>>
      %dma_wait3A_294 = arith.constant 0 : i32
      %dma_wait3A_295 = arith.constant 0 : i32
      %dma_wait3A_296 = tpu.memref_slice %arg6[%dma_wait3A_283, %dma_wait3A_294, %dma_wait3A_295] : memref<2x200x64xi32, #tpu.memory_space<vmem>> -> memref<1x200x64xi32, #tpu.memory_space<vmem>>
      %dma_wait3A_297 = tpu.memref_squeeze %dma_wait3A_296 : memref<1x200x64xi32, #tpu.memory_space<vmem>> -> memref<200x64xi32, #tpu.memory_space<vmem>>
      %dma_wait3A_298 = arith.constant 0 : i32
      %dma_wait3A_299 = arith.constant 0 : i32
      %dma_wait3A_300 = tpu.memref_slice %arg2[%dma_wait3A_298, %dma_wait3A_299] : memref<200x4096xi32, #tpu.memory_space<hbm>> -> memref<200x64xi32, #tpu.memory_space<hbm>>
      tpu.wait_dma2 semaphore(%dma_wait3A_293 : memref<!tpu.dma_semaphore, #tpu.memory_space<semaphore_mem>>) src(%dma_wait3A_300 : memref<200x64xi32, #tpu.memory_space<hbm>>) dst(%dma_wait3A_297 : memref<200x64xi32, #tpu.memory_space<vmem>>)
      %add3A_301 = arith.constant 1 : i32
      %add3A_302 = arith.addi %mul3A_83, %add3A_301 : i32
      %broadcast_in_dim3A_303 = arith.constant 0.000000e+00 : f32
      %broadcast_in_dim3A_304 = vector.broadcast %broadcast_in_dim3A_303 : f32 to vector<16xf32>
      %parallel_loop3A_305 = arith.constant 0 : i32
      %parallel_loop3A_306 = arith.constant 200 : i32
      %parallel_loop3A_307 = arith.constant 1 : i32
      %parallel_loop3A_308:16 = scf.for %parallel_loop3A_437 = %parallel_loop3A_305 to %parallel_loop3A_306 step %parallel_loop3A_307 iter_args(%parallel_loop3A_438 = %broadcast_in_dim3A_304, %parallel_loop3A_439 = %broadcast_in_dim3A_304, %parallel_loop3A_440 = %broadcast_in_dim3A_304, %parallel_loop3A_441 = %broadcast_in_dim3A_304, %parallel_loop3A_442 = %broadcast_in_dim3A_304, %parallel_loop3A_443 = %broadcast_in_dim3A_304, %parallel_loop3A_444 = %broadcast_in_dim3A_304, %parallel_loop3A_445 = %broadcast_in_dim3A_304, %parallel_loop3A_446 = %broadcast_in_dim3A_304, %parallel_loop3A_447 = %broadcast_in_dim3A_304, %parallel_loop3A_448 = %broadcast_in_dim3A_304, %parallel_loop3A_449 = %broadcast_in_dim3A_304, %parallel_loop3A_450 = %broadcast_in_dim3A_304, %parallel_loop3A_451 = %broadcast_in_dim3A_304, %parallel_loop3A_452 = %broadcast_in_dim3A_304, %parallel_loop3A_453 = %broadcast_in_dim3A_304) -> (vector<16xf32>, vector<16xf32>, vector<16xf32>, vector<16xf32>, vector<16xf32>, vector<16xf32>, vector<16xf32>, vector<16xf32>, vector<16xf32>, vector<16xf32>, vector<16xf32>, vector<16xf32>, vector<16xf32>, vector<16xf32>, vector<16xf32>, vector<16xf32>)  : i32 {
        %parallel_loop3A_454 = arith.constant 1 : i32
        %parallel_loop3A_455 = arith.index_cast %parallel_loop3A_454 : i32 to index
        %parallel_loop3A_456 = arith.index_cast %parallel_loop3A_437 : i32 to index
        %parallel_loop3A_457 = arith.constant 0 : index
        %parallel_loop3A_458 = tpu.vector_load %arg6[%parallel_loop3A_455, %parallel_loop3A_456, %parallel_loop3A_457] {strides = array<i32>} : memref<2x200x64xi32, #tpu.memory_space<vmem>>, vector<16xi32>,
        %parallel_loop3A_459 = arith.constant 0 : i32
        %parallel_loop3A_460 = arith.constant 0 : i32
        %parallel_loop3A_461 = tpu.memref_slice %arg5[%parallel_loop3A_459, %parallel_loop3A_460] : memref<2x15000xi32, #tpu.memory_space<vmem>> -> memref<1x15000xi32, #tpu.memory_space<vmem>>
        %parallel_loop3A_462 = tpu.memref_squeeze %parallel_loop3A_461 : memref<1x15000xi32, #tpu.memory_space<vmem>> -> memref<15000xi32, #tpu.memory_space<vmem>>
        %parallel_loop3A_463 = tpu.vector_load_idx %parallel_loop3A_462[%parallel_loop3A_458] : memref<15000xi32, #tpu.memory_space<vmem>>[vector<16xi32>], vector<16xi32>,
        %parallel_loop3A_464 = vector.bitcast %parallel_loop3A_463 : vector<16xi32> to vector<32xbf16>
        %parallel_loop3A_465 = tpu.unpack_subelements %parallel_loop3A_464, 0 {pack_format = #tpu.pack_format<interleaved>} : vector<32xbf16> -> vector<16xf32>
        %parallel_loop3A_466 = tpu.unpack_subelements %parallel_loop3A_464, 1 {pack_format = #tpu.pack_format<interleaved>} : vector<32xbf16> -> vector<16xf32>
        %parallel_loop3A_467 = arith.addf %parallel_loop3A_438, %parallel_loop3A_465 : vector<16xf32>
        %parallel_loop3A_468 = arith.addf %parallel_loop3A_439, %parallel_loop3A_466 : vector<16xf32>
        %parallel_loop3A_469 = arith.constant 1 : i32
        %parallel_loop3A_470 = arith.constant 0 : i32
        %parallel_loop3A_471 = tpu.memref_slice %arg5[%parallel_loop3A_469, %parallel_loop3A_470] : memref<2x15000xi32, #tpu.memory_space<vmem>> -> memref<1x15000xi32, #tpu.memory_space<vmem>>
        %parallel_loop3A_472 = tpu.memref_squeeze %parallel_loop3A_471 : memref<1x15000xi32, #tpu.memory_space<vmem>> -> memref<15000xi32, #tpu.memory_space<vmem>>
        %parallel_loop3A_473 = tpu.vector_load_idx %parallel_loop3A_472[%parallel_loop3A_458] : memref<15000xi32, #tpu.memory_space<vmem>>[vector<16xi32>], vector<16xi32>,
        %parallel_loop3A_474 = vector.bitcast %parallel_loop3A_473 : vector<16xi32> to vector<32xbf16>
        %parallel_loop3A_475 = tpu.unpack_subelements %parallel_loop3A_474, 0 {pack_format = #tpu.pack_format<interleaved>} : vector<32xbf16> -> vector<16xf32>
        %parallel_loop3A_476 = tpu.unpack_subelements %parallel_loop3A_474, 1 {pack_format = #tpu.pack_format<interleaved>} : vector<32xbf16> -> vector<16xf32>
        %parallel_loop3A_477 = arith.addf %parallel_loop3A_440, %parallel_loop3A_475 : vector<16xf32>
        %parallel_loop3A_478 = arith.addf %parallel_loop3A_441, %parallel_loop3A_476 : vector<16xf32>
        %parallel_loop3A_479 = arith.constant 1 : i32
        %parallel_loop3A_480 = arith.index_cast %parallel_loop3A_479 : i32 to index
        %parallel_loop3A_481 = arith.index_cast %parallel_loop3A_437 : i32 to index
        %parallel_loop3A_482 = arith.constant 16 : index
        %parallel_loop3A_483 = tpu.vector_load %arg6[%parallel_loop3A_480, %parallel_loop3A_481, %parallel_loop3A_482] {strides = array<i32>} : memref<2x200x64xi32, #tpu.memory_space<vmem>>, vector<16xi32>,
        %parallel_loop3A_484 = arith.constant 0 : i32
        %parallel_loop3A_485 = arith.constant 0 : i32
        %parallel_loop3A_486 = tpu.memref_slice %arg5[%parallel_loop3A_484, %parallel_loop3A_485] : memref<2x15000xi32, #tpu.memory_space<vmem>> -> memref<1x15000xi32, #tpu.memory_space<vmem>>
        %parallel_loop3A_487 = tpu.memref_squeeze %parallel_loop3A_486 : memref<1x15000xi32, #tpu.memory_space<vmem>> -> memref<15000xi32, #tpu.memory_space<vmem>>
        %parallel_loop3A_488 = tpu.vector_load_idx %parallel_loop3A_487[%parallel_loop3A_483] : memref<15000xi32, #tpu.memory_space<vmem>>[vector<16xi32>], vector<16xi32>,
        %parallel_loop3A_489 = vector.bitcast %parallel_loop3A_488 : vector<16xi32> to vector<32xbf16>
        %parallel_loop3A_490 = tpu.unpack_subelements %parallel_loop3A_489, 0 {pack_format = #tpu.pack_format<interleaved>} : vector<32xbf16> -> vector<16xf32>
        %parallel_loop3A_491 = tpu.unpack_subelements %parallel_loop3A_489, 1 {pack_format = #tpu.pack_format<interleaved>} : vector<32xbf16> -> vector<16xf32>
        %parallel_loop3A_492 = arith.addf %parallel_loop3A_442, %parallel_loop3A_490 : vector<16xf32>
        %parallel_loop3A_493 = arith.addf %parallel_loop3A_443, %parallel_loop3A_491 : vector<16xf32>
        %parallel_loop3A_494 = arith.constant 1 : i32
        %parallel_loop3A_495 = arith.constant 0 : i32
        %parallel_loop3A_496 = tpu.memref_slice %arg5[%parallel_loop3A_494, %parallel_loop3A_495] : memref<2x15000xi32, #tpu.memory_space<vmem>> -> memref<1x15000xi32, #tpu.memory_space<vmem>>
        %parallel_loop3A_497 = tpu.memref_squeeze %parallel_loop3A_496 : memref<1x15000xi32, #tpu.memory_space<vmem>> -> memref<15000xi32, #tpu.memory_space<vmem>>
        %parallel_loop3A_498 = tpu.vector_load_idx %parallel_loop3A_497[%parallel_loop3A_483] : memref<15000xi32, #tpu.memory_space<vmem>>[vector<16xi32>], vector<16xi32>,
        %parallel_loop3A_499 = vector.bitcast %parallel_loop3A_498 : vector<16xi32> to vector<32xbf16>
        %parallel_loop3A_500 = tpu.unpack_subelements %parallel_loop3A_499, 0 {pack_format = #tpu.pack_format<interleaved>} : vector<32xbf16> -> vector<16xf32>
        %parallel_loop3A_501 = tpu.unpack_subelements %parallel_loop3A_499, 1 {pack_format = #tpu.pack_format<interleaved>} : vector<32xbf16> -> vector<16xf32>
        %parallel_loop3A_502 = arith.addf %parallel_loop3A_444, %parallel_loop3A_500 : vector<16xf32>
        %parallel_loop3A_503 = arith.addf %parallel_loop3A_445, %parallel_loop3A_501 : vector<16xf32>
        %parallel_loop3A_504 = arith.constant 1 : i32
        %parallel_loop3A_505 = arith.index_cast %parallel_loop3A_504 : i32 to index
        %parallel_loop3A_506 = arith.index_cast %parallel_loop3A_437 : i32 to index
        %parallel_loop3A_507 = arith.constant 32 : index
        %parallel_loop3A_508 = tpu.vector_load %arg6[%parallel_loop3A_505, %parallel_loop3A_506, %parallel_loop3A_507] {strides = array<i32>} : memref<2x200x64xi32, #tpu.memory_space<vmem>>, vector<16xi32>,
        %parallel_loop3A_509 = arith.constant 0 : i32
        %parallel_loop3A_510 = arith.constant 0 : i32
        %parallel_loop3A_511 = tpu.memref_slice %arg5[%parallel_loop3A_509, %parallel_loop3A_510] : memref<2x15000xi32, #tpu.memory_space<vmem>> -> memref<1x15000xi32, #tpu.memory_space<vmem>>
        %parallel_loop3A_512 = tpu.memref_squeeze %parallel_loop3A_511 : memref<1x15000xi32, #tpu.memory_space<vmem>> -> memref<15000xi32, #tpu.memory_space<vmem>>
        %parallel_loop3A_513 = tpu.vector_load_idx %parallel_loop3A_512[%parallel_loop3A_508] : memref<15000xi32, #tpu.memory_space<vmem>>[vector<16xi32>], vector<16xi32>,
        %parallel_loop3A_514 = vector.bitcast %parallel_loop3A_513 : vector<16xi32> to vector<32xbf16>
        %parallel_loop3A_515 = tpu.unpack_subelements %parallel_loop3A_514, 0 {pack_format = #tpu.pack_format<interleaved>} : vector<32xbf16> -> vector<16xf32>
        %parallel_loop3A_516 = tpu.unpack_subelements %parallel_loop3A_514, 1 {pack_format = #tpu.pack_format<interleaved>} : vector<32xbf16> -> vector<16xf32>
        %parallel_loop3A_517 = arith.addf %parallel_loop3A_446, %parallel_loop3A_515 : vector<16xf32>
        %parallel_loop3A_518 = arith.addf %parallel_loop3A_447, %parallel_loop3A_516 : vector<16xf32>
        %parallel_loop3A_519 = arith.constant 1 : i32
        %parallel_loop3A_520 = arith.constant 0 : i32
        %parallel_loop3A_521 = tpu.memref_slice %arg5[%parallel_loop3A_519, %parallel_loop3A_520] : memref<2x15000xi32, #tpu.memory_space<vmem>> -> memref<1x15000xi32, #tpu.memory_space<vmem>>
        %parallel_loop3A_522 = tpu.memref_squeeze %parallel_loop3A_521 : memref<1x15000xi32, #tpu.memory_space<vmem>> -> memref<15000xi32, #tpu.memory_space<vmem>>
        %parallel_loop3A_523 = tpu.vector_load_idx %parallel_loop3A_522[%parallel_loop3A_508] : memref<15000xi32, #tpu.memory_space<vmem>>[vector<16xi32>], vector<16xi32>,
        %parallel_loop3A_524 = vector.bitcast %parallel_loop3A_523 : vector<16xi32> to vector<32xbf16>
        %parallel_loop3A_525 = tpu.unpack_subelements %parallel_loop3A_524, 0 {pack_format = #tpu.pack_format<interleaved>} : vector<32xbf16> -> vector<16xf32>
        %parallel_loop3A_526 = tpu.unpack_subelements %parallel_loop3A_524, 1 {pack_format = #tpu.pack_format<interleaved>} : vector<32xbf16> -> vector<16xf32>
        %parallel_loop3A_527 = arith.addf %parallel_loop3A_448, %parallel_loop3A_525 : vector<16xf32>
        %parallel_loop3A_528 = arith.addf %parallel_loop3A_449, %parallel_loop3A_526 : vector<16xf32>
        %parallel_loop3A_529 = arith.constant 1 : i32
        %parallel_loop3A_530 = arith.index_cast %parallel_loop3A_529 : i32 to index
        %parallel_loop3A_531 = arith.index_cast %parallel_loop3A_437 : i32 to index
        %parallel_loop3A_532 = arith.constant 48 : index
        %parallel_loop3A_533 = tpu.vector_load %arg6[%parallel_loop3A_530, %parallel_loop3A_531, %parallel_loop3A_532] {strides = array<i32>} : memref<2x200x64xi32, #tpu.memory_space<vmem>>, vector<16xi32>,
        %parallel_loop3A_534 = arith.constant 0 : i32
        %parallel_loop3A_535 = arith.constant 0 : i32
        %parallel_loop3A_536 = tpu.memref_slice %arg5[%parallel_loop3A_534, %parallel_loop3A_535] : memref<2x15000xi32, #tpu.memory_space<vmem>> -> memref<1x15000xi32, #tpu.memory_space<vmem>>
        %parallel_loop3A_537 = tpu.memref_squeeze %parallel_loop3A_536 : memref<1x15000xi32, #tpu.memory_space<vmem>> -> memref<15000xi32, #tpu.memory_space<vmem>>
        %parallel_loop3A_538 = tpu.vector_load_idx %parallel_loop3A_537[%parallel_loop3A_533] : memref<15000xi32, #tpu.memory_space<vmem>>[vector<16xi32>], vector<16xi32>,
        %parallel_loop3A_539 = vector.bitcast %parallel_loop3A_538 : vector<16xi32> to vector<32xbf16>
        %parallel_loop3A_540 = tpu.unpack_subelements %parallel_loop3A_539, 0 {pack_format = #tpu.pack_format<interleaved>} : vector<32xbf16> -> vector<16xf32>
        %parallel_loop3A_541 = tpu.unpack_subelements %parallel_loop3A_539, 1 {pack_format = #tpu.pack_format<interleaved>} : vector<32xbf16> -> vector<16xf32>
        %parallel_loop3A_542 = arith.addf %parallel_loop3A_450, %parallel_loop3A_540 : vector<16xf32>
        %parallel_loop3A_543 = arith.addf %parallel_loop3A_451, %parallel_loop3A_541 : vector<16xf32>
        %parallel_loop3A_544 = arith.constant 1 : i32
        %parallel_loop3A_545 = arith.constant 0 : i32
        %parallel_loop3A_546 = tpu.memref_slice %arg5[%parallel_loop3A_544, %parallel_loop3A_545] : memref<2x15000xi32, #tpu.memory_space<vmem>> -> memref<1x15000xi32, #tpu.memory_space<vmem>>
        %parallel_loop3A_547 = tpu.memref_squeeze %parallel_loop3A_546 : memref<1x15000xi32, #tpu.memory_space<vmem>> -> memref<15000xi32, #tpu.memory_space<vmem>>
        %parallel_loop3A_548 = tpu.vector_load_idx %parallel_loop3A_547[%parallel_loop3A_533] : memref<15000xi32, #tpu.memory_space<vmem>>[vector<16xi32>], vector<16xi32>,
        %parallel_loop3A_549 = vector.bitcast %parallel_loop3A_548 : vector<16xi32> to vector<32xbf16>
        %parallel_loop3A_550 = tpu.unpack_subelements %parallel_loop3A_549, 0 {pack_format = #tpu.pack_format<interleaved>} : vector<32xbf16> -> vector<16xf32>
        %parallel_loop3A_551 = tpu.unpack_subelements %parallel_loop3A_549, 1 {pack_format = #tpu.pack_format<interleaved>} : vector<32xbf16> -> vector<16xf32>
        %parallel_loop3A_552 = arith.addf %parallel_loop3A_452, %parallel_loop3A_550 : vector<16xf32>
        %parallel_loop3A_553 = arith.addf %parallel_loop3A_453, %parallel_loop3A_551 : vector<16xf32>
        scf.yield %parallel_loop3A_467, %parallel_loop3A_468, %parallel_loop3A_477, %parallel_loop3A_478, %parallel_loop3A_492, %parallel_loop3A_493, %parallel_loop3A_502, %parallel_loop3A_503, %parallel_loop3A_517, %parallel_loop3A_518, %parallel_loop3A_527, %parallel_loop3A_528, %parallel_loop3A_542, %parallel_loop3A_543, %parallel_loop3A_552, %parallel_loop3A_553 : vector<16xf32>, vector<16xf32>, vector<16xf32>, vector<16xf32>, vector<16xf32>, vector<16xf32>, vector<16xf32>, vector<16xf32>, vector<16xf32>, vector<16xf32>, vector<16xf32>, vector<16xf32>, vector<16xf32>, vector<16xf32>, vector<16xf32>, vector<16xf32>
      } {sc.loop_unroll_factor = 4 : i64, sc.parallel_access}
      %mul3A_309 = arith.constant 64 : i32
      %mul3A_310 = arith.muli %mul3A_309, %add3A_302 : i32
      %add3A_311 = arith.constant 0 : i32
      %add3A_312 = arith.addi %mul3A_310, %add3A_311 : i32
      %swap3A_313 = arith.constant 0 : i32
      %swap3A_314 = arith.index_cast %swap3A_313 : i32 to index
      %swap3A_315 = arith.index_cast %add3A_312 : i32 to index
      %swap3A_316 = tpu.vector_load %arg7[%swap3A_314, %swap3A_315] {strides = array<i32>} : memref<4x1024xf32, #tpu.memory_space<vmem>>, vector<16xf32>,
      tpu.vector_store %arg7[%swap3A_314, %swap3A_315], %parallel_loop3A_308#0 {strides = array<i32>} : memref<4x1024xf32, #tpu.memory_space<vmem>>, vector<16xf32>,
      %mul3A_317 = arith.constant 64 : i32
      %mul3A_318 = arith.muli %mul3A_317, %add3A_302 : i32
      %add3A_319 = arith.constant 0 : i32
      %add3A_320 = arith.addi %mul3A_318, %add3A_319 : i32
      %swap3A_321 = arith.constant 1 : i32
      %swap3A_322 = arith.index_cast %swap3A_321 : i32 to index
      %swap3A_323 = arith.index_cast %add3A_320 : i32 to index
      %swap3A_324 = tpu.vector_load %arg7[%swap3A_322, %swap3A_323] {strides = array<i32>} : memref<4x1024xf32, #tpu.memory_space<vmem>>, vector<16xf32>,
      tpu.vector_store %arg7[%swap3A_322, %swap3A_323], %parallel_loop3A_308#1 {strides = array<i32>} : memref<4x1024xf32, #tpu.memory_space<vmem>>, vector<16xf32>,
      %mul3A_325 = arith.constant 64 : i32
      %mul3A_326 = arith.muli %mul3A_325, %add3A_302 : i32
      %add3A_327 = arith.constant 0 : i32
      %add3A_328 = arith.addi %mul3A_326, %add3A_327 : i32
      %swap3A_329 = arith.constant 2 : i32
      %swap3A_330 = arith.index_cast %swap3A_329 : i32 to index
      %swap3A_331 = arith.index_cast %add3A_328 : i32 to index
      %swap3A_332 = tpu.vector_load %arg7[%swap3A_330, %swap3A_331] {strides = array<i32>} : memref<4x1024xf32, #tpu.memory_space<vmem>>, vector<16xf32>,
      tpu.vector_store %arg7[%swap3A_330, %swap3A_331], %parallel_loop3A_308#2 {strides = array<i32>} : memref<4x1024xf32, #tpu.memory_space<vmem>>, vector<16xf32>,
      %mul3A_333 = arith.constant 64 : i32
      %mul3A_334 = arith.muli %mul3A_333, %add3A_302 : i32
      %add3A_335 = arith.constant 0 : i32
      %add3A_336 = arith.addi %mul3A_334, %add3A_335 : i32
      %swap3A_337 = arith.constant 3 : i32
      %swap3A_338 = arith.index_cast %swap3A_337 : i32 to index
      %swap3A_339 = arith.index_cast %add3A_336 : i32 to index
      %swap3A_340 = tpu.vector_load %arg7[%swap3A_338, %swap3A_339] {strides = array<i32>} : memref<4x1024xf32, #tpu.memory_space<vmem>>, vector<16xf32>,
      tpu.vector_store %arg7[%swap3A_338, %swap3A_339], %parallel_loop3A_308#3 {strides = array<i32>} : memref<4x1024xf32, #tpu.memory_space<vmem>>, vector<16xf32>,
      %mul3A_341 = arith.constant 64 : i32
      %mul3A_342 = arith.muli %mul3A_341, %add3A_302 : i32
      %add3A_343 = arith.constant 16 : i32
      %add3A_344 = arith.addi %mul3A_342, %add3A_343 : i32
      %swap3A_345 = arith.constant 0 : i32
      %swap3A_346 = arith.index_cast %swap3A_345 : i32 to index
      %swap3A_347 = arith.index_cast %add3A_344 : i32 to index
      %swap3A_348 = tpu.vector_load %arg7[%swap3A_346, %swap3A_347] {strides = array<i32>} : memref<4x1024xf32, #tpu.memory_space<vmem>>, vector<16xf32>,
      tpu.vector_store %arg7[%swap3A_346, %swap3A_347], %parallel_loop3A_308#4 {strides = array<i32>} : memref<4x1024xf32, #tpu.memory_space<vmem>>, vector<16xf32>,
      %mul3A_349 = arith.constant 64 : i32
      %mul3A_350 = arith.muli %mul3A_349, %add3A_302 : i32
      %add3A_351 = arith.constant 16 : i32
      %add3A_352 = arith.addi %mul3A_350, %add3A_351 : i32
      %swap3A_353 = arith.constant 1 : i32
      %swap3A_354 = arith.index_cast %swap3A_353 : i32 to index
      %swap3A_355 = arith.index_cast %add3A_352 : i32 to index
      %swap3A_356 = tpu.vector_load %arg7[%swap3A_354, %swap3A_355] {strides = array<i32>} : memref<4x1024xf32, #tpu.memory_space<vmem>>, vector<16xf32>,
      tpu.vector_store %arg7[%swap3A_354, %swap3A_355], %parallel_loop3A_308#5 {strides = array<i32>} : memref<4x1024xf32, #tpu.memory_space<vmem>>, vector<16xf32>,
      %mul3A_357 = arith.constant 64 : i32
      %mul3A_358 = arith.muli %mul3A_357, %add3A_302 : i32
      %add3A_359 = arith.constant 16 : i32
      %add3A_360 = arith.addi %mul3A_358, %add3A_359 : i32
      %swap3A_361 = arith.constant 2 : i32
      %swap3A_362 = arith.index_cast %swap3A_361 : i32 to index
      %swap3A_363 = arith.index_cast %add3A_360 : i32 to index
      %swap3A_364 = tpu.vector_load %arg7[%swap3A_362, %swap3A_363] {strides = array<i32>} : memref<4x1024xf32, #tpu.memory_space<vmem>>, vector<16xf32>,
      tpu.vector_store %arg7[%swap3A_362, %swap3A_363], %parallel_loop3A_308#6 {strides = array<i32>} : memref<4x1024xf32, #tpu.memory_space<vmem>>, vector<16xf32>,
      %mul3A_365 = arith.constant 64 : i32
      %mul3A_366 = arith.muli %mul3A_365, %add3A_302 : i32
      %add3A_367 = arith.constant 16 : i32
      %add3A_368 = arith.addi %mul3A_366, %add3A_367 : i32
      %swap3A_369 = arith.constant 3 : i32
      %swap3A_370 = arith.index_cast %swap3A_369 : i32 to index
      %swap3A_371 = arith.index_cast %add3A_368 : i32 to index
      %swap3A_372 = tpu.vector_load %arg7[%swap3A_370, %swap3A_371] {strides = array<i32>} : memref<4x1024xf32, #tpu.memory_space<vmem>>, vector<16xf32>,
      tpu.vector_store %arg7[%swap3A_370, %swap3A_371], %parallel_loop3A_308#7 {strides = array<i32>} : memref<4x1024xf32, #tpu.memory_space<vmem>>, vector<16xf32>,
      %mul3A_373 = arith.constant 64 : i32
      %mul3A_374 = arith.muli %mul3A_373, %add3A_302 : i32
      %add3A_375 = arith.constant 32 : i32
      %add3A_376 = arith.addi %mul3A_374, %add3A_375 : i32
      %swap3A_377 = arith.constant 0 : i32
      %swap3A_378 = arith.index_cast %swap3A_377 : i32 to index
      %swap3A_379 = arith.index_cast %add3A_376 : i32 to index
      %swap3A_380 = tpu.vector_load %arg7[%swap3A_378, %swap3A_379] {strides = array<i32>} : memref<4x1024xf32, #tpu.memory_space<vmem>>, vector<16xf32>,
      tpu.vector_store %arg7[%swap3A_378, %swap3A_379], %parallel_loop3A_308#8 {strides = array<i32>} : memref<4x1024xf32, #tpu.memory_space<vmem>>, vector<16xf32>,
      %mul3A_381 = arith.constant 64 : i32
      %mul3A_382 = arith.muli %mul3A_381, %add3A_302 : i32
      %add3A_383 = arith.constant 32 : i32
      %add3A_384 = arith.addi %mul3A_382, %add3A_383 : i32
      %swap3A_385 = arith.constant 1 : i32
      %swap3A_386 = arith.index_cast %swap3A_385 : i32 to index
      %swap3A_387 = arith.index_cast %add3A_384 : i32 to index
      %swap3A_388 = tpu.vector_load %arg7[%swap3A_386, %swap3A_387] {strides = array<i32>} : memref<4x1024xf32, #tpu.memory_space<vmem>>, vector<16xf32>,
      tpu.vector_store %arg7[%swap3A_386, %swap3A_387], %parallel_loop3A_308#9 {strides = array<i32>} : memref<4x1024xf32, #tpu.memory_space<vmem>>, vector<16xf32>,
      %mul3A_389 = arith.constant 64 : i32
      %mul3A_390 = arith.muli %mul3A_389, %add3A_302 : i32
      %add3A_391 = arith.constant 32 : i32
      %add3A_392 = arith.addi %mul3A_390, %add3A_391 : i32
      %swap3A_393 = arith.constant 2 : i32
      %swap3A_394 = arith.index_cast %swap3A_393 : i32 to index
      %swap3A_395 = arith.index_cast %add3A_392 : i32 to index
      %swap3A_396 = tpu.vector_load %arg7[%swap3A_394, %swap3A_395] {strides = array<i32>} : memref<4x1024xf32, #tpu.memory_space<vmem>>, vector<16xf32>,
      tpu.vector_store %arg7[%swap3A_394, %swap3A_395], %parallel_loop3A_308#10 {strides = array<i32>} : memref<4x1024xf32, #tpu.memory_space<vmem>>, vector<16xf32>,
      %mul3A_397 = arith.constant 64 : i32
      %mul3A_398 = arith.muli %mul3A_397, %add3A_302 : i32
      %add3A_399 = arith.constant 32 : i32
      %add3A_400 = arith.addi %mul3A_398, %add3A_399 : i32
      %swap3A_401 = arith.constant 3 : i32
      %swap3A_402 = arith.index_cast %swap3A_401 : i32 to index
      %swap3A_403 = arith.index_cast %add3A_400 : i32 to index
      %swap3A_404 = tpu.vector_load %arg7[%swap3A_402, %swap3A_403] {strides = array<i32>} : memref<4x1024xf32, #tpu.memory_space<vmem>>, vector<16xf32>,
      tpu.vector_store %arg7[%swap3A_402, %swap3A_403], %parallel_loop3A_308#11 {strides = array<i32>} : memref<4x1024xf32, #tpu.memory_space<vmem>>, vector<16xf32>,
      %mul3A_405 = arith.constant 64 : i32
      %mul3A_406 = arith.muli %mul3A_405, %add3A_302 : i32
      %add3A_407 = arith.constant 48 : i32
      %add3A_408 = arith.addi %mul3A_406, %add3A_407 : i32
      %swap3A_409 = arith.constant 0 : i32
      %swap3A_410 = arith.index_cast %swap3A_409 : i32 to index
      %swap3A_411 = arith.index_cast %add3A_408 : i32 to index
      %swap3A_412 = tpu.vector_load %arg7[%swap3A_410, %swap3A_411] {strides = array<i32>} : memref<4x1024xf32, #tpu.memory_space<vmem>>, vector<16xf32>,
      tpu.vector_store %arg7[%swap3A_410, %swap3A_411], %parallel_loop3A_308#12 {strides = array<i32>} : memref<4x1024xf32, #tpu.memory_space<vmem>>, vector<16xf32>,
      %mul3A_413 = arith.constant 64 : i32
      %mul3A_414 = arith.muli %mul3A_413, %add3A_302 : i32
      %add3A_415 = arith.constant 48 : i32
      %add3A_416 = arith.addi %mul3A_414, %add3A_415 : i32
      %swap3A_417 = arith.constant 1 : i32
      %swap3A_418 = arith.index_cast %swap3A_417 : i32 to index
      %swap3A_419 = arith.index_cast %add3A_416 : i32 to index
      %swap3A_420 = tpu.vector_load %arg7[%swap3A_418, %swap3A_419] {strides = array<i32>} : memref<4x1024xf32, #tpu.memory_space<vmem>>, vector<16xf32>,
      tpu.vector_store %arg7[%swap3A_418, %swap3A_419], %parallel_loop3A_308#13 {strides = array<i32>} : memref<4x1024xf32, #tpu.memory_space<vmem>>, vector<16xf32>,
      %mul3A_421 = arith.constant 64 : i32
      %mul3A_422 = arith.muli %mul3A_421, %add3A_302 : i32
      %add3A_423 = arith.constant 48 : i32
      %add3A_424 = arith.addi %mul3A_422, %add3A_423 : i32
      %swap3A_425 = arith.constant 2 : i32
      %swap3A_426 = arith.index_cast %swap3A_425 : i32 to index
      %swap3A_427 = arith.index_cast %add3A_424 : i32 to index
      %swap3A_428 = tpu.vector_load %arg7[%swap3A_426, %swap3A_427] {strides = array<i32>} : memref<4x1024xf32, #tpu.memory_space<vmem>>, vector<16xf32>,
      tpu.vector_store %arg7[%swap3A_426, %swap3A_427], %parallel_loop3A_308#14 {strides = array<i32>} : memref<4x1024xf32, #tpu.memory_space<vmem>>, vector<16xf32>,
      %mul3A_429 = arith.constant 64 : i32
      %mul3A_430 = arith.muli %mul3A_429, %add3A_302 : i32
      %add3A_431 = arith.constant 48 : i32
      %add3A_432 = arith.addi %mul3A_430, %add3A_431 : i32
      %swap3A_433 = arith.constant 3 : i32
      %swap3A_434 = arith.index_cast %swap3A_433 : i32 to index
      %swap3A_435 = arith.index_cast %add3A_432 : i32 to index
      %swap3A_436 = tpu.vector_load %arg7[%swap3A_434, %swap3A_435] {strides = array<i32>} : memref<4x1024xf32, #tpu.memory_space<vmem>>, vector<16xf32>,
      tpu.vector_store %arg7[%swap3A_434, %swap3A_435], %parallel_loop3A_308#15 {strides = array<i32>} : memref<4x1024xf32, #tpu.memory_space<vmem>>, vector<16xf32>,
    }
    %scan3A_59 = arith.constant 8 : i32
    %dma_wait3A = arith.constant 0 : i32
    %dma_wait3A_60 = arith.constant 0 : i32
    %dma_wait3A_61 = arith.constant 0 : i32
    %dma_wait3A_62 = arith.constant 0 : i32
    %dma_wait3A_63 = tpu.memref_slice %arg6[%dma_wait3A, %dma_wait3A_61, %dma_wait3A_62] : memref<2x200x64xi32, #tpu.memory_space<vmem>> -> memref<1x200x64xi32, #tpu.memory_space<vmem>>
    %dma_wait3A_64 = tpu.memref_squeeze %dma_wait3A_63 : memref<1x200x64xi32, #tpu.memory_space<vmem>> -> memref<200x64xi32, #tpu.memory_space<vmem>>
    %dma_wait3A_65 = arith.constant 0 : i32
    %dma_wait3A_66 = arith.constant 0 : i32
    %dma_wait3A_67 = tpu.memref_slice %arg2[%dma_wait3A_65, %dma_wait3A_66] : memref<200x4096xi32, #tpu.memory_space<hbm>> -> memref<200x64xi32, #tpu.memory_space<hbm>>
    %dma_wait3A_68 = tpu.memref_slice %arg8[%dma_wait3A_60] : memref<2x!tpu.dma_semaphore, #tpu.memory_space<semaphore_mem>> -> memref<1x!tpu.dma_semaphore, #tpu.memory_space<semaphore_mem>>
    %dma_wait3A_69 = tpu.memref_squeeze %dma_wait3A_68 : memref<1x!tpu.dma_semaphore, #tpu.memory_space<semaphore_mem>> -> memref<!tpu.dma_semaphore, #tpu.memory_space<semaphore_mem>>
    %dma_wait3A_70 = arith.constant 0 : i32
    %dma_wait3A_71 = arith.constant 0 : i32
    %dma_wait3A_72 = tpu.memref_slice %arg6[%dma_wait3A, %dma_wait3A_70, %dma_wait3A_71] : memref<2x200x64xi32, #tpu.memory_space<vmem>> -> memref<1x200x64xi32, #tpu.memory_space<vmem>>
    %dma_wait3A_73 = tpu.memref_squeeze %dma_wait3A_72 : memref<1x200x64xi32, #tpu.memory_space<vmem>> -> memref<200x64xi32, #tpu.memory_space<vmem>>
    %dma_wait3A_74 = arith.constant 0 : i32
    %dma_wait3A_75 = arith.constant 0 : i32
    %dma_wait3A_76 = tpu.memref_slice %arg2[%dma_wait3A_74, %dma_wait3A_75] : memref<200x4096xi32, #tpu.memory_space<hbm>> -> memref<200x64xi32, #tpu.memory_space<hbm>>
    tpu.wait_dma2 semaphore(%dma_wait3A_69 : memref<!tpu.dma_semaphore, #tpu.memory_space<semaphore_mem>>) src(%dma_wait3A_76 : memref<200x64xi32, #tpu.memory_space<hbm>>) dst(%dma_wait3A_73 : memref<200x64xi32, #tpu.memory_space<vmem>>)
    %mul3A_77 = arith.constant 4 : i32
    %mul3A_78 = arith.muli %mul3A_77, %select_n3A : i32
    %mul3A_79 = arith.constant 1024 : i32
    %mul3A_80 = arith.muli %mul3A_79, %select_n3A_30 : i32
    "tpu.region"() ({
      %run_scoped3A = tpu.sem_alloc : memref<!tpu.dma_semaphore, #tpu.memory_space<semaphore_mem>>
      %dma_start3A_81 = tpu.memref_slice %arg4[%mul3A_78, %mul3A_80] : memref<32x4096xf32, #tpu.memory_space<hbm>> -> memref<4x1024xf32, #tpu.memory_space<hbm>>
      %dma_start3A_82 = tpu.memref_slice %arg4[%mul3A_78, %mul3A_80] : memref<32x4096xf32, #tpu.memory_space<hbm>> -> memref<4x1024xf32, #tpu.memory_space<hbm>>
      tpu.enqueue_dma source(%arg7 : memref<4x1024xf32, #tpu.memory_space<vmem>>) target(%dma_start3A_82 : memref<4x1024xf32, #tpu.memory_space<hbm>>) target_semaphore(%run_scoped3A : memref<!tpu.dma_semaphore, #tpu.memory_space<semaphore_mem>>)
      %dma_wait3A_83 = tpu.memref_slice %arg4[%mul3A_78, %mul3A_80] : memref<32x4096xf32, #tpu.memory_space<hbm>> -> memref<4x1024xf32, #tpu.memory_space<hbm>>
      %dma_wait3A_84 = tpu.memref_slice %arg4[%mul3A_78, %mul3A_80] : memref<32x4096xf32, #tpu.memory_space<hbm>> -> memref<4x1024xf32, #tpu.memory_space<hbm>>
      tpu.wait_dma2 semaphore(%run_scoped3A : memref<!tpu.dma_semaphore, #tpu.memory_space<semaphore_mem>>) src(%arg7 : memref<4x1024xf32, #tpu.memory_space<vmem>>) dst(%dma_wait3A_84 : memref<4x1024xf32, #tpu.memory_space<hbm>>)
      tpu.yield
    }) : () -> ()
    return
  }
}

module attributes {stable_mosaic.version = 14 : i64} {
  func.func @_nz_body(%arg0: i32, %arg1: memref<8x100001xf32, #tpu.memory_space<vmem>>, %arg2: memref<800768xf32, #tpu.memory_space<vmem>>) attributes {dimension_semantics = [#tpu.dimension_semantics<arbitrary>], iteration_bounds = array<i64: 4>, scalar_prefetch = 0 : i64, scratch_operands = 0 : i64, tpu.core_type = #tpu.core_type<tc>, window_params = [{transform_indices = @transform_0, window_bounds = array<i64: 8, 100001>}, {transform_indices = @transform_1, window_bounds = array<i64: 800768>}]} {
    %get3A = arith.constant 0 : index
    %get3A_0 = arith.constant 0 : index
    %get3A_1 = vector.load %arg1[%get3A, %get3A_0] : memref<8x100001xf32, #tpu.memory_space<vmem>>, vector<1x100001xf32>
    %get3A_2 = vector.shape_cast %get3A_1 : vector<1x100001xf32> to vector<100001xf32>
    %swap3A = arith.constant 0 : index
    %swap3A_3 = vector.load %arg2[%swap3A] : memref<800768xf32, #tpu.memory_space<vmem>>, vector<100001xf32>
    tpu.vector_store %arg2[%swap3A], %get3A_2 {strides = array<i32>} : memref<800768xf32, #tpu.memory_space<vmem>>, vector<100001xf32>,
    %get3A_4 = arith.constant 1 : index
    %get3A_5 = arith.constant 0 : index
    %get3A_6 = vector.load %arg1[%get3A_4, %get3A_5] : memref<8x100001xf32, #tpu.memory_space<vmem>>, vector<1x100001xf32>
    %get3A_7 = vector.shape_cast %get3A_6 : vector<1x100001xf32> to vector<100001xf32>
    %swap3A_8 = arith.constant 100096 : index
    %swap3A_9 = vector.load %arg2[%swap3A_8] : memref<800768xf32, #tpu.memory_space<vmem>>, vector<100001xf32>
    tpu.vector_store %arg2[%swap3A_8], %get3A_7 {strides = array<i32>} : memref<800768xf32, #tpu.memory_space<vmem>>, vector<100001xf32>,
    %get3A_10 = arith.constant 2 : index
    %get3A_11 = arith.constant 0 : index
    %get3A_12 = vector.load %arg1[%get3A_10, %get3A_11] : memref<8x100001xf32, #tpu.memory_space<vmem>>, vector<1x100001xf32>
    %get3A_13 = vector.shape_cast %get3A_12 : vector<1x100001xf32> to vector<100001xf32>
    %swap3A_14 = arith.constant 200192 : index
    %swap3A_15 = vector.load %arg2[%swap3A_14] : memref<800768xf32, #tpu.memory_space<vmem>>, vector<100001xf32>
    tpu.vector_store %arg2[%swap3A_14], %get3A_13 {strides = array<i32>} : memref<800768xf32, #tpu.memory_space<vmem>>, vector<100001xf32>,
    %get3A_16 = arith.constant 3 : index
    %get3A_17 = arith.constant 0 : index
    %get3A_18 = vector.load %arg1[%get3A_16, %get3A_17] : memref<8x100001xf32, #tpu.memory_space<vmem>>, vector<1x100001xf32>
    %get3A_19 = vector.shape_cast %get3A_18 : vector<1x100001xf32> to vector<100001xf32>
    %swap3A_20 = arith.constant 300288 : index
    %swap3A_21 = vector.load %arg2[%swap3A_20] : memref<800768xf32, #tpu.memory_space<vmem>>, vector<100001xf32>
    tpu.vector_store %arg2[%swap3A_20], %get3A_19 {strides = array<i32>} : memref<800768xf32, #tpu.memory_space<vmem>>, vector<100001xf32>,
    %get3A_22 = arith.constant 4 : index
    %get3A_23 = arith.constant 0 : index
    %get3A_24 = vector.load %arg1[%get3A_22, %get3A_23] : memref<8x100001xf32, #tpu.memory_space<vmem>>, vector<1x100001xf32>
    %get3A_25 = vector.shape_cast %get3A_24 : vector<1x100001xf32> to vector<100001xf32>
    %swap3A_26 = arith.constant 400384 : index
    %swap3A_27 = vector.load %arg2[%swap3A_26] : memref<800768xf32, #tpu.memory_space<vmem>>, vector<100001xf32>
    tpu.vector_store %arg2[%swap3A_26], %get3A_25 {strides = array<i32>} : memref<800768xf32, #tpu.memory_space<vmem>>, vector<100001xf32>,
    %get3A_28 = arith.constant 5 : index
    %get3A_29 = arith.constant 0 : index
    %get3A_30 = vector.load %arg1[%get3A_28, %get3A_29] : memref<8x100001xf32, #tpu.memory_space<vmem>>, vector<1x100001xf32>
    %get3A_31 = vector.shape_cast %get3A_30 : vector<1x100001xf32> to vector<100001xf32>
    %swap3A_32 = arith.constant 500480 : index
    %swap3A_33 = vector.load %arg2[%swap3A_32] : memref<800768xf32, #tpu.memory_space<vmem>>, vector<100001xf32>
    tpu.vector_store %arg2[%swap3A_32], %get3A_31 {strides = array<i32>} : memref<800768xf32, #tpu.memory_space<vmem>>, vector<100001xf32>,
    %get3A_34 = arith.constant 6 : index
    %get3A_35 = arith.constant 0 : index
    %get3A_36 = vector.load %arg1[%get3A_34, %get3A_35] : memref<8x100001xf32, #tpu.memory_space<vmem>>, vector<1x100001xf32>
    %get3A_37 = vector.shape_cast %get3A_36 : vector<1x100001xf32> to vector<100001xf32>
    %swap3A_38 = arith.constant 600576 : index
    %swap3A_39 = vector.load %arg2[%swap3A_38] : memref<800768xf32, #tpu.memory_space<vmem>>, vector<100001xf32>
    tpu.vector_store %arg2[%swap3A_38], %get3A_37 {strides = array<i32>} : memref<800768xf32, #tpu.memory_space<vmem>>, vector<100001xf32>,
    %get3A_40 = arith.constant 7 : index
    %get3A_41 = arith.constant 0 : index
    %get3A_42 = vector.load %arg1[%get3A_40, %get3A_41] : memref<8x100001xf32, #tpu.memory_space<vmem>>, vector<1x100001xf32>
    %get3A_43 = vector.shape_cast %get3A_42 : vector<1x100001xf32> to vector<100001xf32>
    %swap3A_44 = arith.constant 700672 : index
    %swap3A_45 = vector.load %arg2[%swap3A_44] : memref<800768xf32, #tpu.memory_space<vmem>>, vector<100001xf32>
    tpu.vector_store %arg2[%swap3A_44], %get3A_43 {strides = array<i32>} : memref<800768xf32, #tpu.memory_space<vmem>>, vector<100001xf32>,
    return
  }
  func.func @transform_0(%arg0: i32) -> (i32, i32) {
    %c0_i32 = arith.constant 0 : i32
    %c0_i32_0 = arith.constant 0 : i32
    return %arg0, %c0_i32 : i32, i32
  }
  func.func @transform_1(%arg0: i32) -> i32 {
    %c0_i32 = arith.constant 0 : i32
    return %arg0 : i32
  }
}

module attributes {stable_mosaic.version = 14 : i64} {
  func.func @_tc_body(%arg0: memref<32x4096xf32, #tpu.memory_space<vmem>>, %arg1: memref<32x4096xf32, #tpu.memory_space<vmem>>, %arg2: memref<32x32xf32, #tpu.memory_space<vmem>>, %arg3: memref<1x32xf32, #tpu.memory_space<vmem>>, %arg4: memref<32x32xf32, #tpu.memory_space<vmem>>, %arg5: memref<1x32xf32, #tpu.memory_space<vmem>>, %arg6: memref<4096x64xf32, #tpu.memory_space<vmem>>) attributes {dimension_semantics = [], scalar_prefetch = 0 : i64, scratch_operands = 0 : i64, tpu.core_type = #tpu.core_type<tc>} {
    %get3A = arith.constant 0 : index
    %get3A_0 = arith.constant 0 : index
    %get3A_1 = vector.load %arg0[%get3A, %get3A_0] : memref<32x4096xf32, #tpu.memory_space<vmem>>, vector<32x4096xf32>
    %get3A_2 = arith.constant 0 : index
    %get3A_3 = arith.constant 0 : index
    %get3A_4 = vector.load %arg2[%get3A_2, %get3A_3] : memref<32x32xf32, #tpu.memory_space<vmem>>, vector<32x32xf32>
    %dot_general3A = arith.constant dense<0.000000e+00> : vector<4096x32xf32>
    %dot_general3A_5 = tpu.matmul %get3A_1, %get3A_4, %dot_general3A {dimension_numbers = #tpu.dot_dimension_numbers<[0], [1], [1], [0], [0, 1, 1, 0], [], []>, transpose_lhs_hint = false} : vector<32x4096xf32>, vector<32x32xf32>, vector<4096x32xf32> -> vector<4096x32xf32>
    %get3A_6 = arith.constant 0 : index
    %get3A_7 = arith.constant 0 : index
    %get3A_8 = vector.load %arg1[%get3A_6, %get3A_7] : memref<32x4096xf32, #tpu.memory_space<vmem>>, vector<32x4096xf32>
    %get3A_9 = arith.constant 0 : index
    %get3A_10 = arith.constant 0 : index
    %get3A_11 = vector.load %arg4[%get3A_9, %get3A_10] : memref<32x32xf32, #tpu.memory_space<vmem>>, vector<32x32xf32>
    %dot_general3A_12 = arith.constant dense<0.000000e+00> : vector<4096x32xf32>
    %dot_general3A_13 = tpu.matmul %get3A_8, %get3A_11, %dot_general3A_12 {dimension_numbers = #tpu.dot_dimension_numbers<[0], [1], [1], [0], [0, 1, 1, 0], [], []>, transpose_lhs_hint = false} : vector<32x4096xf32>, vector<32x32xf32>, vector<4096x32xf32> -> vector<4096x32xf32>
    %mul3A = arith.constant 5.000000e-03 : f32
    %mul3A_14 = vector.broadcast %mul3A : f32 to vector<4096x32xf32>
    %mul3A_15 = arith.mulf %dot_general3A_5, %mul3A_14 : vector<4096x32xf32>
    %get3A_16 = arith.constant 0 : index
    %get3A_17 = arith.constant 0 : index
    %get3A_18 = vector.load %arg3[%get3A_16, %get3A_17] : memref<1x32xf32, #tpu.memory_space<vmem>>, vector<1x32xf32>
    %add3A = vector.broadcast %get3A_18 : vector<1x32xf32> to vector<4096x32xf32>
    %add3A_19 = arith.addf %mul3A_15, %add3A : vector<4096x32xf32>
    %swap3A = arith.constant 0 : index
    %swap3A_20 = arith.constant 0 : index
    %swap3A_21 = vector.load %arg6[%swap3A, %swap3A_20] : memref<4096x64xf32, #tpu.memory_space<vmem>>, vector<4096x32xf32>
    tpu.vector_store %arg6[%swap3A, %swap3A_20], %add3A_19 {strides = array<i32>} : memref<4096x64xf32, #tpu.memory_space<vmem>>, vector<4096x32xf32>,
    %get3A_22 = arith.constant 0 : index
    %get3A_23 = arith.constant 0 : index
    %get3A_24 = vector.load %arg5[%get3A_22, %get3A_23] : memref<1x32xf32, #tpu.memory_space<vmem>>, vector<1x32xf32>
    %add3A_25 = vector.broadcast %get3A_24 : vector<1x32xf32> to vector<4096x32xf32>
    %add3A_26 = arith.addf %dot_general3A_13, %add3A_25 : vector<4096x32xf32>
    %swap3A_27 = arith.constant 0 : index
    %swap3A_28 = arith.constant 32 : index
    %swap3A_29 = vector.load %arg6[%swap3A_27, %swap3A_28] : memref<4096x64xf32, #tpu.memory_space<vmem>>, vector<4096x32xf32>
    tpu.vector_store %arg6[%swap3A_27, %swap3A_28], %add3A_26 {strides = array<i32>} : memref<4096x64xf32, #tpu.memory_space<vmem>>, vector<4096x32xf32>,
    return
  }
}

</mosaic_0001>

<sc_bundles>
// kernel: kernel.6.cloned.1.call-start
scs
__scs_entry_jumppad:
0x0: {  	(pc) =	sbr.rel $0x88, $3  }
0x1: {  	(tag) =	ssettag $0x0;
	lr =	simm.s32 $0x1  }
0x2: {  	[smem:$0x3F98] =	sst lr;
	_ =	strace $0xD0000000  }
0x3: {  	_ = 	snop  }
0x4: {  	_ = 	snop  }
0x5: {  	_ = 	snop  }
0x6: {  	_ = 	snop  }
0x7: {  	_ = 	snop  }
__scs_overlays_trampoline_lowered:
0x8: {  	[smem:$0x3FA7] =	sst s0  }
0x9: {  	[smem:$0x3FA8] =	sst s1  }
0xa: {  	[smem:$0x3FA9] =	sst s2  }
0xb: {  	[smem:$0x3FAA] =	sst s3  }
0xc: {  	[smem:$0x3FAB] =	sst s4  }
0xd: {  	[smem:$0x3FAC] =	sst s5  }
0xe: {  	[smem:$0x3FAD] =	sst s6  }
0xf: {  	[smem:$0x3FAE] =	sst s7  }
0x10: {  	[smem:$0x3FAF] =	sst s8  }
0x11: {  	[smem:$0x3FB0] =	sst s9;
	s0 =	simm.s32 @!p0 $0x0  }
0x12: {  	s1 =	sld [smem:$0x3F96];
	s0 =	simm.s32 @p0 $0x1  }
0x13: {  	[smem:$0x3FB1] =	sst s0;
	s0 =	simm.s32 @!p1 $0x0  }
0x14: {  	s2 =	sld [smem:$0x3F95];
	s0 =	simm.s32 @p1 $0x1  }
0x15: {  	[smem:$0x3FB2] =	sst s0;
	s0 =	simm.s32 @!p2 $0x0  }
0x16: {  	s3 =	sld [smem:$0x3FDB];
	s0 =	simm.s32 @p2 $0x1  }
0x17: {  	s4 =	simm.s32 $0x1BF5;
	[smem:$0x3FB4] =	sst s0  }
0x18: {  	s0 =	sld [smem:$0x3F97];
	_ =	swait.ge [sflag:s4], $0x0  }
0x19: {  	s7 =	sld [smem:$0x3F98]  }
0x1a: {  	s8 =	sadd.s32 $0xFFFFE003, lr  }
0x1b: {  	s9 =	sadd.s32 $0xFFFFFEF7, lr;
	s5 =	simm.s32 $0xFFFFFFFF;
	p2 =	slt.u32 s8, $0xFFFFF086  }
0x1c: {  	p1 =	slt.u32 s9, $0xF7A;
	s5 =	simm.s32 @!p2 $0x0  }
0x1d: {  	s5 =	simm.s32 @p1 $0x1;
	p0 =	seq.s32 s7, s2  }
0x1e: {  	s7 =	smul.u32 @!p0 $0xF7A, s2;
	p2 =	seq.s32 @!p0 s5, $0x0  }
0x1f: {  	s9 =	smul.u32 $0xF7A, s1;
	s8 =	simm.s32 @!p0 $0x1BF5;
	p2 =	por !p2, p0  }
0x20: {  	[sflag:s8] =	ssyncset.s32 @!p0 $0xFFFFF086;
	s6 =	sadd.s32 @!p0 s3, s7;
	s7 =	simm.s32 @!p0 $0x108  }
0x21: {  	s3 =	sadd.s32 s3, s9;
	s6 =	sadd.s32 @!p0 $0x88, s6;
	s7 =	simm.s32 @p2 $0x1082  }
0x22: {  	[simem:s7], [sflag:s8] =	dma.local @!p0 [hbm:s6], $0xF7A  }
0x23: {  	s9 =	sor.u32 $0xD0000000, s2;
	s6 =	simm.s32 $0x108;
	_ =	swait.ge @!p0 [sflag:s8], $0x0  }
0x24: {  	s3 =	sadd.s32 $0x88, s3;
	s6 =	simm.s32 @!p1 $0x1082;
	[sflag:s4] =	ssyncset.s32 $0xFFFFF086  }
0x25: {  	[simem:s6], [sflag:s4] =	dma.local [hbm:s3], $0xF7A  }
0x26: {  	[smem:$0x3F98] =	sst s1;
	(tag) =	ssettag s2;
	_ =	strace s9  }
0x27: {  	s1 =	sld [smem:$0x3FA8]  }
0x28: {  	s2 =	sld [smem:$0x3FA9]  }
0x29: {  	s4 =	sld [smem:$0x3FAB]  }
0x2a: {  	p0 =	seq.s32 s5, $0x0;
	s5 =	sld [smem:$0x3FAC]  }
0x2b: {  	s6 =	sld [smem:$0x3FAD]  }
0x2c: {  	s7 =	sld [smem:$0x3FAE]  }
0x2d: {  	s3 =	simm.s32 $0x108;
	s8 =	sld [smem:$0x3FAF]  }
0x2e: {  	s3 =	simm.s32 @!p0 $0x1082;
	s9 =	sld [smem:$0x3FB0]  }
0x2f: {  	lr =	sadd.s32 s0, s3;
	s0 =	sld [smem:$0x3FA7]  }
0x30: {  	s3 =	sld [smem:$0x3FAA]  }
0x31: {  	[smem:$0x3FB3] =	sst s10  }
0x32: {  	s10 =	sld [smem:$0x3FB1];
	_ =	sdelay $0x3  }
0x33: {  	p0 =	seq.s32 s10, $0x1;
	s10 =	sld [smem:$0x3FB3];
	_ =	sdelay $0x3  }
0x34: {  	[smem:$0x3FB3] =	sst s10  }
0x35: {  	s10 =	sld [smem:$0x3FB2];
	_ =	sdelay $0x3  }
0x36: {  	p1 =	seq.s32 s10, $0x1;
	s10 =	sld [smem:$0x3FB3];
	_ =	sdelay $0x3  }
0x37: {  	[smem:$0x3FB3] =	sst s10  }
0x38: {  	s10 =	sld [smem:$0x3FB4]  }
0x39: {  	_ = 	snop;
	(pc) =	sbr.ind lr, $3  }
0x3a: {  	_ = 	snop  }
0x3b: {  	_ = 	snop  }
0x3c: {  	p2 =	seq.s32 s10, $0x1;
	s10 =	sld [smem:$0x3FB3]  }
0x3d: {  	_ =	shalt  }
0x3e: {  	_ =	shalt  }
0x3f: {  	_ =	shalt  }
0x40: {  	_ =	shalt  }
0x41: {  	_ =	shalt  }
0x42: {  	_ =	shalt  }
0x43: {  	_ =	shalt  }
0x44: {  	_ =	shalt  }
0x45: {  	_ =	shalt  }
0x46: {  	_ =	shalt  }
0x47: {  	_ =	shalt  }
0x48: {  	_ =	shalt  }
0x49: {  	_ =	shalt  }
0x4a: {  	_ =	shalt  }
0x4b: {  	_ =	shalt  }
0x4c: {  	_ =	shalt  }
0x4d: {  	_ =	shalt  }
0x4e: {  	_ =	shalt  }
0x4f: {  	_ =	shalt  }
0x50: {  	_ =	shalt  }
0x51: {  	_ =	shalt  }
0x52: {  	_ =	shalt  }
0x53: {  	_ =	shalt  }
0x54: {  	_ =	shalt  }
0x55: {  	_ =	shalt  }
0x56: {  	_ =	shalt  }
0x57: {  	_ =	shalt  }
0x58: {  	_ =	shalt  }
0x59: {  	_ =	shalt  }
0x5a: {  	_ =	shalt  }
0x5b: {  	_ =	shalt  }
0x5c: {  	_ =	shalt  }
0x5d: {  	_ =	shalt  }
0x5e: {  	_ =	shalt  }
0x5f: {  	_ =	shalt  }
0x60: {  	_ =	shalt  }
0x61: {  	_ =	shalt  }
0x62: {  	_ =	shalt  }
0x63: {  	_ =	shalt  }
0x64: {  	_ =	shalt  }
0x65: {  	_ =	shalt  }
0x66: {  	_ =	shalt  }
0x67: {  	_ =	shalt  }
0x68: {  	_ =	shalt  }
0x69: {  	_ =	shalt  }
0x6a: {  	_ =	shalt  }
0x6b: {  	_ =	shalt  }
0x6c: {  	_ =	shalt  }
0x6d: {  	_ =	shalt  }
0x6e: {  	_ =	shalt  }
0x6f: {  	_ =	shalt  }
0x70: {  	_ =	shalt  }
0x71: {  	_ =	shalt  }
0x72: {  	_ =	shalt  }
0x73: {  	_ =	shalt  }
0x74: {  	_ =	shalt  }
0x75: {  	_ =	shalt  }
0x76: {  	_ =	shalt  }
0x77: {  	_ =	shalt  }
0x78: {  	_ =	shalt  }
0x79: {  	_ =	shalt  }
0x7a: {  	_ =	shalt  }
0x7b: {  	_ =	shalt  }
0x7c: {  	_ =	shalt  }
0x7d: {  	_ =	shalt  }
0x7e: {  	_ =	shalt  }
0x7f: {  	_ =	shalt  }
0x80: {  	_ =	shalt  }
0x81: {  	_ =	shalt  }
0x82: {  	_ =	shalt  }
0x83: {  	_ =	shalt  }
0x84: {  	_ =	shalt  }
0x85: {  	_ =	shalt  }
0x86: {  	_ =	shalt  }
0x87: {  	_ =	shalt  }
.Lfunc_end0:
.L_simem_size_0:
called_computation_lowered:
.L_overlay_start_0:
0x88: {  	s2 =	sld [smem:$0x3FD9]  }
0x89: {  	s3 =	sld [smem:$0x3FFE];
	_ =	sdelay $0x1  }
0x8a: {  	s1 =	srdreg.scid  }
0x8b: {  	s0 =	sand.u32 $0x1, s1  }
0x8c: {  	s17 =	sshll.u32 s0, $0xA;
	s2 =	sadd.s32 s3, s2  }
0x8d: {  	s2 =	sadd.s32 s2, s17  }
0x8e: {  	[smem:$0x3FBF] =	sst s2  }
0x8f: {  	_ = 	snop  }
0x90: {  	s18 =	sld [smem:$0x3FD0];
	(tm) =	ssettm $0x1  }
0x91: {  	s19 =	sld [smem:$0x3FFB];
	_ =	sdelay $0x3  }
0x92: {  	_ =	strace s19  }
0x93: {  	s2 =	sld [smem:$0x3FFC];
	_ =	sdelay $0x3  }
0x94: {  	_ =	strace s2  }
0x95: {  	s2 =	sld [smem:$0x3FFD];
	_ =	sdelay $0x3  }
0x96: {  	_ =	strace s2  }
0x97: {  	_ =	strace $0x8FFFFFFF  }
0x98: {  	s20 =	sld [smem:$0x3FDB];
	_ =	sdelay $0x1  }
0x99: {  	s4 =	simm.s32 $_scs_section_size  }
0x9a: {  	s5 =	simm.s32 $_size__tile_overlayer_lowered;
	s6 =	simm.s32 $_tile_overlayer_lowered  }
0x9b: {  	s7 =	simm.s32 $0x1BFF;
	s21 =	sshll.u32 s6, $0x1;
	s4 =	sadd.s32 s4, s20  }
0x9c: {  	s22 =	simm.s32 $0x0;
	s5 =	sshll.u32 s5, $0x1;
	s6 =	sadd.s32 s21, s4  }
0x9d: {  	[timem:s22], [sflag:s7] =	dma.local [hbm:s6], s5  }
0x9e: {  	_ =	swait.ge [sflag:s7], s5  }
0x9f: {  	s5 =	ssub.s32 $0x0, s5;
	[sflag:s7] =	ssyncset.done $0x0  }
0xa0: {  	[sflag:s7] =	ssyncadd.s32 s5;
	_ =	sdelay $0x1  }
0xa1: {  	s23 =	simm.s32 $0x1B8B  }
0xa2: {  	_ =	swait.ge [sflag:s23], $0x1  }
0xa3: {  	[sflag:s23] =	ssyncset.done $0x0  }
0xa4: {  	[sflag:s23] =	ssyncadd.s32 $0xFFFFFFFF  }
0xa5: {  	s5 =	sld [smem:$0x0]  }
0xa6: {  	s6 =	sand.u32 $0xFFFFFFFE, s1  }
0xa7: {  	p0 =	sne.s32 s1, s6  }
0xa8: {  	s6 =	sshll.u32 @p0 s6, $0xE  }
0xa9: {  	s6 =	sadd.s32 @p0 $0x11B8D, s6;
	s7 =	sshll.u32 @p0 s5, $0x11  }
0xaa: {  	s6 =	sor.u32 @p0 s7, s6  }
0xab: {  	[sflag:s6] =	ssyncadd.remote.s32 @p0 $0x1;
	_ =	sdelay $0x1  }
0xac: {  	s6 =	simm.s32 @p0 $0x1B8D  }
0xad: {  	_ =	swait.eq @p0 [sflag:s6], $0x1  }
0xae: {  	[sflag:s6] =	ssyncadd.s32 @p0 $0xFFFFFFFF  }
0xaf: {  	s7 =	sshll.u32 @!p0 s1, $0xE  }
0xb0: {  	s7 =	sor.u32 @!p0 $0x4000, s7;
	s6 =	simm.s32 @!p0 $0x1B8D  }
0xb1: {  	s5 =	sshll.u32 @!p0 s5, $0x11;
	s7 =	sadd.s32 @!p0 $0x11B8D, s7;
	_ =	swait.eq @!p0 [sflag:s6], $0x1  }
0xb2: {  	s5 =	sor.u32 @!p0 s5, s7;
	[sflag:s6] =	ssyncadd.s32 @!p0 $0xFFFFFFFF  }
0xb3: {  	s25 =	simm.s32 $0x1B8E;
	s24 =	sld [smem:$0x3FFE];
	[sflag:s5] =	ssyncadd.remote.s32 @!p0 $0x1  }
0xb4: {  	s26 =	simm.s32 $execute0_lowered;
	[smem:$0x3FD2] =	sst s25  }
0xb5: {  	s6 =	sshll.u32 s26, $0x1;
	_ =	strace $0x80000049;
	[dreg:$0x1] =	wrdreg $0xFFFFFFFF  }
0xb6: {  	s28 =	simm.s32 $_size_execute0_lowered;
	s4 =	sadd.s32 s4, s6;
	[dreg:$0x0] =	wrdreg $0x0  }
0xb7: {  	s6 =	sshll.u32 s28, $0x1;
	[dreg:$0x2] =	wrdreg s4  }
0xb8: {  	[dreg:$0x3] =	wrdreg s6  }
0xb9: {  	[dreg:$0x4] =	wrdreg $0xC0  }
0xba: {  	_ =	task [dreg:s22], $0x5FFFF  }
0xbb: {  	[dreg:$0x1] =	wrdreg $0xFFFFFFFF  }
0xbc: {  	[dreg:$0x0] =	wrdreg $0x60  }
0xbd: {  	[dreg:$0x2] =	wrdreg s24  }
0xbe: {  	[dreg:$0x3] =	wrdreg s18  }
0xbf: {  	[dreg:$0x4] =	wrdreg $0x9  }
0xc0: {  	_ =	task.clear_ibuf [dreg:s22], $0x5FFFF;
	_ =	strace $0x90000049  }
0xc1: {  	s29 =	simm.s32 $0x9;
	_ =	strace $0x8000004B  }
0xc2: {  	_ =	swait.ge [sflag:s29], $0x1  }
0xc3: {  	[sflag:s29] =	ssyncadd.s32 $0xFFFFFFFF  }
0xc4: {  	_ =	strace $0x9000004B  }
0xc5: {  	_ =	sfence  }
0xc6: {  	s30 =	sld [smem:$0x0];
	_ =	sdelay $0x2  }
0xc7: {  	s31 =	sshll.u32 s1, $0xD;
	s1 =	sshrl.u32 s1, $0x2  }
0xc8: {  	s4 =	sand.u32 $0x4000, s31;
	s1 =	sadd.s32 s1, s30  }
0xc9: {  	s0 =	sor.u32 s4, s0;
	s1 =	sshll.u32 s1, $0x11  }
0xca: {  	s0 =	sor.u32 s1, s0  }
0xcb: {  	s0 =	sadd.s32 $0x8F2B, s0  }
0xcc: {  	[sflag:s0] =	ssyncadd.remote.s32 $0x1  }
0xcd: {  	_ =	sfence.sel $0xFFFF  }
0xce: {  	[dreg:$0x0] =	wrdreg $0xFFFFFFFF;
	(pc) =	sbr.abs _section_cstart, $3  }
0xcf: {  	[dreg:$0x1] =	wrdreg $0xFFFFFFFF  }
0xd0: {  	_ =	task.clear_ibuf [dreg:s22], $0x2FFFF;
	_ =	strace $0x9FFFFFFF  }
0xd1: {  	(tm) =	ssettm $0x7FFFFFFF  }
tec
execute0_lowered:
.L_overlay_start_1:
0x0: {  	(tag) =	ssettag $0x1  }
0x1: {  	s5 =	rddreg [dreg:$0x0];
	s0 =	stileid.u32  }
0x2: {  	s6 =	rddreg [dreg:$0x1];
	s2 =	srdreg.scid  }
0x3: {  	s1 =	rddreg [dreg:$0x2];
	s11 =	simm.s32 $0x40;
	s12 =	simm.s32 $0x1000  }
0x4: {  	s13 =	simm.s32 $0x7530;
	s14 =	simm.s32 $0xA730;
	s15 =	simm.s32 $0x1  }
0x5: {  	s16 =	simm.s32 $0x3A98;
	s17 =	simm.s32 $0x2;
	s18 =	simm.s32 $0x400  }
0x6: {  	s19 =	simm.s32 $0xD930;
	s20 =	simm.s32 $0x0;
	s3 =	sshll.u32 s0, $0x1  }
0x7: {  	s4 =	sand.u32 $0x1, s2;
	s2 =	simm.s32 $0x0;
	s3 =	sand.u32 $0x2, s3  }
0x8: {  	s7 =	sshrl.u32 s0, $0x1;
	[smem:$0x7FF] =	sst s2;
	s8 =	sor.u32 s4, s3  }
0x9: {  	s9 =	sshll.u32 s7, $0xE;
	s10 =	ssub.s32 $0x2, s4;
	s3 =	sshll.u32 s8, $0xA  }
0xa: {  	s7 =	smul.u32 $0xEA6, s7;
	_ =	strace $0x8000004A;
	s9 =	sor.u32 s9, s3  }
0xb: {  	s4 =	sadd.s32 $0x67200, s5;
	s30 =	sshrl.u32 s10, $0x1;
	s9 =	sshrl.u32 s9, $0x3  }
0xc: {  	s10 =	ssub.s32 s10, s30;
	s31 =	sshll.u32 s8, $0x7;
	s9 =	sadd.s32 s9, s5  }
0xd: {  	s5 =	sadd.s32 s6, s7;
	s6 =	sadd.s32 s4, s31;
	s7 =	sor.u32 $0x80, s3  }
0xe: {  	s8 =	sadd.s32 $0x80200, s9;
	s9 =	smax.u32 s10, $0x1;
	s10 =	simm.s32 $0x3  }
.LBB2_1:
0xf: {  	[tilespmem:s2], [sflag:$0x3] =	stream.linear.gather [hbm4b:s5+s2], $0x7530, $0x38;
	[tilespmem:$0xE930] =	vst v63  }
0x10: {  	_ =	swait.ge [sflag:s10], $0x7530  }
0x11: {  	[sflag:s10] =	ssyncset.done $0x0  }
0x12: {  	s21 =	simm.s32 $0x0;
	[sflag:s10] =	ssyncadd.s32 $0xFFFF8AD0  }
0x13: {  	[tilespmem:s13], [sflag:$0x1] =	stream.strided.gather [hbm4b:s6+s11], $0x3200, s12, s11, $0x38;
	[tilespmem:$0xE930] =	vst v63  }
.LBB2_2:
0x14: {  	s23 =	sshll.u32 s21, $0x7  }
0x15: {  	s22 =	sor.u32 $0x40, s23  }
0x16: {  	s24 =	sor.u32 s3, s22  }
0x17: {  	s24 =	sshrl.u32 s24, $0x3  }
0x18: {  	s24 =	sadd.s32 s4, s24  }
0x19: {  	[tilespmem:s14], [sflag:$0x2] =	stream.strided.gather [hbm4b:s24+s11], $0x3200, s12, s11, $0x38;
	[tilespmem:$0xE930] =	vst v63  }
0x1a: {  	_ =	swait.ge [sflag:s15], $0x3200  }
0x1b: {  	[sflag:s15] =	ssyncset.done $0x0  }
0x1c: {  	s24 =	simm.s32 $0x75B0;
	[sflag:s15] =	ssyncadd.s32 $0xFFFFCE00  }
0x1d: {  	v0 =	vld [tilespmem:s24+$0x0]  }
0x1e: {  	v4 =	vld [tilespmem:s24+$0xFFFFFFE0]  }
0x1f: {  	v10 =	vld [tilespmem:s24+$0xFFFFFFF0]  }
0x20: {  	v2 =	vld [tilespmem:s24+$0x60]  }
0x21: {  	v1 =	vld [tilespmem:s24+$0x10]  }
0x22: {  	v11 =	vld [tilespmem:s24+$0xFFFFFFB0]  }
0x23: {  	v5 =	vld [tilespmem:s24+$0xFFFFFFD0]  }
0x24: {  	v3 =	vld [tilespmem:s24+$0xFFFFFF80]  }
0x25: {  	v13 =	vld [tilespmem:s24+$0x70]  }
0x26: {  	v14 =	vld [tilespmem:s24+$0xFFFFFFA0]  }
0x27: {  	v15 =	vld [tilespmem:s24+$0xFFFFFF90]  }
0x28: {  	v16 =	vld [tilespmem:s24+$0x30]  }
0x29: {  	v6 =	vld.idx.msk [tilespmem:v0+s16+$0x0], $0xffff  }
0x2a: {  	v8 =	vld.idx.msk [tilespmem:v0+s2+$0x0], $0xffff  }
0x2b: {  	v0 =	vld [tilespmem:s24+$0xFFFFFFC0]  }
0x2c: {  	v19 =	vld [tilespmem:s24+$0x40]  }
0x2d: {  	v12 =	vld.idx.msk [tilespmem:v2+s16+$0x0], $0xffff  }
0x2e: {  	v17 =	vld.idx.msk [tilespmem:v3+s2+$0x0], $0xffff  }
0x2f: {  	v18 =	vld.idx.msk [tilespmem:v3+s16+$0x0], $0xffff  }
0x30: {  	v33 =	vld.idx.msk [tilespmem:v10+s16+$0x0], $0xffff  }
0x31: {  	v35 =	vld.idx.msk [tilespmem:v14+s16+$0x0], $0xffff  }
0x32: {  	v30 =	vld.idx.msk [tilespmem:v14+s2+$0x0], $0xffff  }
0x33: {  	v9 =	vimm.f32 $0.0e+00;
	v14 =	vimm.f32 $0.0e+00;
	v26 =	vunpack.i.u.bf16.f32 v8;
	v20 =	vld.idx.msk [tilespmem:v0+s2+$0x0], $0xffff  }
0x34: {  	v32 =	vld.idx.msk [tilespmem:v11+s2+$0x0], $0xffff;
	v23 =	vunpack.i.u.bf16.f32 v6;
	v3 =	vunpack.i.l.bf16.f32 v12;
	v27 =	vunpack.i.l.bf16.f32 v8  }
0x35: {  	v31 =	vunpack.i.l.bf16.f32 v6;
	v6 =	vunpack.i.u.bf16.f32 v12;
	v8 =	vunpack.i.u.bf16.f32 v17;
	v25 =	vld.idx.msk [tilespmem:v0+s16+$0x0], $0xffff  }
0x36: {  	v11 =	vld.idx.msk [tilespmem:v11+s16+$0x0], $0xffff;
	v12 =	vunpack.i.l.bf16.f32 v17;
	v22 =	vunpack.i.l.bf16.f32 v18;
	v18 =	vunpack.i.u.bf16.f32 v18  }
0x37: {  	v17 =	vld.idx.msk [tilespmem:v15+s16+$0x0], $0xffff;
	v39 =	vunpack.i.l.bf16.f32 v33;
	v36 =	vunpack.i.u.bf16.f32 v35;
	v12 =	vadd.f32 v12, v9  }
0x38: {  	v7 =	vld [tilespmem:s24+$0x20];
	v8 =	vadd.f32 v8, v9;
	v28 =	vadd.f32 v22, v9;
	v22 =	vunpack.i.l.bf16.f32 v20  }
0x39: {  	v34 =	vld.idx.msk [tilespmem:v16+s16+$0x0], $0xffff;
	v40 =	vunpack.i.u.bf16.f32 v33;
	v20 =	vunpack.i.u.bf16.f32 v20;
	v12 =	vadd.f32 v22, v12  }
0x3a: {  	v24 =	vld.idx.msk [tilespmem:v15+s2+$0x0], $0xffff;
	v21 =	vunpack.i.l.bf16.f32 v25;
	v20 =	vadd.f32 v20, v8;
	v22 =	vadd.f32 v18, v9  }
0x3b: {  	v0 =	vld.idx.msk [tilespmem:v13+s16+$0x0], $0xffff;
	v8 =	vunpack.i.u.bf16.f32 v32;
	v15 =	vadd.f32 v21, v28;
	v18 =	vunpack.i.u.bf16.f32 v11  }
0x3c: {  	v21 =	vld.idx.msk [tilespmem:v10+s2+$0x0], $0xffff;
	v28 =	vunpack.i.u.bf16.f32 v17;
	v10 =	vunpack.i.l.bf16.f32 v11;
	v8 =	vadd.f32 v8, v9  }
0x3d: {  	v33 =	vld.idx.msk [tilespmem:v19+s2+$0x0], $0xffff;
	v11 =	vimm.f32 $0.0e+00;
	v37 =	vadd.f32 v18, v9;
	v38 =	vadd.f32 v10, v9  }
0x3e: {  	v13 =	vld.idx.msk [tilespmem:v13+s2+$0x0], $0xffff;
	v10 =	vimm.f32 $0.0e+00;
	v29 =	vadd.f32 v27, v12;
	v18 =	vadd.f32 v31, v15  }
0x3f: {  	v27 =	vld.idx.msk [tilespmem:v19+s16+$0x0], $0xffff;
	v31 =	vadd.f32 v26, v20;
	v20 =	vimm.f32 $0.0e+00;
	v26 =	vimm.f32 $0.0e+00  }
0x40: {  	s25 =	simm.s32 $0x0;
	s26 =	simm.s32 $0x76B0;
	v12 =	vld.idx.msk [tilespmem:v16+s2+$0x0], $0xffff;
	v19 =	vimm.f32 $0.0e+00;
	v15 =	vimm.f32 $0.0e+00;
	v16 =	vimm.f32 $0.0e+00  }
.LBB2_3:
0x41: {  	v41 =	vld [tilespmem:s26+$0x0];
	s25 =	sadd.s32 $0x4, s25;
	v35 =	vunpack.i.l.bf16.f32 v35;
	v38 =	vadd.f32 v39, v38;
	v39 =	vunpack.i.l.bf16.f32 v0  }
0x42: {  	v32 =	vunpack.i.l.bf16.f32 v32;
	v37 =	vadd.f32 v40, v37;
	v40 =	vunpack.i.l.bf16.f32 v34;
	p0 =	slt.u32 s25, $0xC4;
	v42 =	vld.idx.msk [tilespmem:v4+s16+$0x0], $0xffff  }
0x43: {  	v25 =	vunpack.i.u.bf16.f32 v25;
	v34 =	vunpack.i.u.bf16.f32 v34;
	v43 =	vld.idx.msk [tilespmem:v7+s16+$0x0], $0xffff;
	v38 =	vadd.f32 v40, v38  }
0x44: {  	v25 =	vadd.f32 v25, v22;
	v22 =	vunpack.i.l.bf16.f32 v27;
	v34 =	vadd.f32 v34, v37;
	v7 =	vld.idx.msk [tilespmem:v7+s2+$0x0], $0xffff  }
0x45: {  	v40 =	vunpack.i.l.bf16.f32 v21;
	v22 =	vadd.f32 v22, v18;
	v37 =	vld.idx.msk [tilespmem:v5+s16+$0x0], $0xffff;
	v18 =	vadd.f32 v39, v38  }
0x46: {  	v9 =	vadd.f32 v35, v9;
	v20 =	vadd.f32 v32, v20;
	v38 =	vunpack.i.u.bf16.f32 v30;
	v32 =	vld.idx.msk [tilespmem:v4+s2+$0x0], $0xffff  }
0x47: {  	v4 =	vadd.f32 v36, v14;
	v35 =	vld.idx.msk [tilespmem:v5+s2+$0x0], $0xffff;
	v5 =	vadd.f32 v23, v25;
	v23 =	vunpack.i.u.bf16.f32 v27  }
0x48: {  	v26 =	vadd.f32 v38, v26;
	v25 =	vunpack.i.l.bf16.f32 v30;
	v14 =	vunpack.i.u.bf16.f32 v42;
	v36 =	vld.idx.msk [tilespmem:v2+s2+$0x0], $0xffff  }
0x49: {  	v39 =	vunpack.i.l.bf16.f32 v33;
	v2 =	vunpack.i.l.bf16.f32 v42;
	v38 =	vunpack.i.l.bf16.f32 v43;
	v27 =	vld.idx.msk [tilespmem:v41+s16+$0x0], $0xffff  }
0x4a: {  	v4 =	vadd.f32 v14, v4;
	v14 =	vunpack.i.u.bf16.f32 v43;
	v30 =	vld.idx.msk [tilespmem:v41+s2+$0x0], $0xffff;
	v41 =	vunpack.i.u.bf16.f32 v24  }
0x4b: {  	v20 =	vadd.f32 v40, v20;
	v42 =	vunpack.i.l.bf16.f32 v24;
	v24 =	vadd.f32 v39, v29;
	v40 =	vld.idx.msk [tilespmem:v1+s2+$0x0], $0xffff  }
0x4c: {  	v19 =	vadd.f32 v28, v19;
	v28 =	vld.idx.msk [tilespmem:v1+s16+$0x0], $0xffff;
	v1 =	vadd.f32 v14, v4;
	v4 =	vunpack.i.u.bf16.f32 v33  }
0x4d: {  	v17 =	vunpack.i.l.bf16.f32 v17;
	v2 =	vadd.f32 v2, v9;
	v29 =	vadd.f32 v4, v31;
	v31 =	vld [tilespmem:s24+$0x50];
	s24 =	smov.u32 s26  }
0x4e: {  	v9 =	vunpack.i.l.bf16.f32 v12;
	v33 =	vunpack.i.u.bf16.f32 v37;
	v4 =	vld [tilespmem:s26+$0xFFFFFFE0];
	v14 =	vadd.f32 v6, v1  }
0x4f: {  	v21 =	vunpack.i.u.bf16.f32 v21;
	v2 =	vadd.f32 v38, v2;
	v6 =	vunpack.i.u.bf16.f32 v32;
	v39 =	vld [tilespmem:s26+$0xFFFFFFF0]  }
0x50: {  	v15 =	vadd.f32 v25, v15;
	v25 =	vunpack.i.l.bf16.f32 v37;
	v20 =	vadd.f32 v9, v20;
	v1 =	vld [tilespmem:s26+$0x10]  }
0x51: {  	v16 =	vadd.f32 v41, v16;
	v38 =	vunpack.i.l.bf16.f32 v7;
	v9 =	vadd.f32 v3, v2;
	v37 =	vld [tilespmem:s26+$0xFFFFFFB0]  }
0x52: {  	v43 =	vadd.f32 v23, v5;
	v41 =	vunpack.i.u.bf16.f32 v7;
	v3 =	vunpack.i.l.bf16.f32 v28;
	v2 =	vld [tilespmem:s26+$0x60]  }
0x53: {  	v23 =	vunpack.i.l.bf16.f32 v32;
	v19 =	vadd.f32 v33, v19;
	v32 =	vunpack.i.l.bf16.f32 v13;
	v5 =	vld [tilespmem:s26+$0xFFFFFFD0]  }
0x54: {  	v8 =	vadd.f32 v21, v8;
	v12 =	vunpack.i.u.bf16.f32 v12;
	v21 =	vunpack.i.u.bf16.f32 v28;
	v7 =	vld [tilespmem:s26+$0x20]  }
0x55: {  	v10 =	vadd.f32 v42, v10;
	v20 =	vadd.f32 v32, v20;
	v28 =	vunpack.i.l.bf16.f32 v35;
	v33 =	vld.idx.msk [tilespmem:v31+s2+$0x0], $0xffff  }
0x56: {  	v11 =	vadd.f32 v17, v11;
	v8 =	vadd.f32 v12, v8;
	v13 =	vunpack.i.u.bf16.f32 v13;
	v12 =	vld.idx.msk [tilespmem:v31+s16+$0x0], $0xffff  }
0x57: {  	v6 =	vadd.f32 v6, v26;
	v17 =	vunpack.i.l.bf16.f32 v40;
	v10 =	vadd.f32 v28, v10;
	v42 =	vld [tilespmem:s26+$0x70]  }
0x58: {  	v8 =	vadd.f32 v13, v8;
	v19 =	vadd.f32 v21, v19;
	v21 =	vunpack.i.u.bf16.f32 v36;
	v28 =	vld [tilespmem:s26+$0xFFFFFFC0]  }
0x59: {  	v11 =	vadd.f32 v25, v11;
	v26 =	vunpack.i.u.bf16.f32 v35;
	v10 =	vadd.f32 v17, v10;
	v13 =	vld [tilespmem:s26+$0xFFFFFF80]  }
0x5a: {  	v0 =	vunpack.i.u.bf16.f32 v0;
	v15 =	vadd.f32 v23, v15;
	v6 =	vadd.f32 v41, v6;
	v17 =	vld.idx.msk [tilespmem:v2+s16+$0x0], $0xffff  }
0x5b: {  	v41 =	vadd.f32 v0, v34;
	v3 =	vadd.f32 v3, v11;
	v11 =	vunpack.i.l.bf16.f32 v33;
	v31 =	vld [tilespmem:s26+$0xFFFFFFA0]  }
0x5c: {  	v0 =	vadd.f32 v26, v16;
	v16 =	vunpack.i.u.bf16.f32 v40;
	v23 =	vunpack.i.u.bf16.f32 v12;
	v35 =	vld [tilespmem:s26+$0xFFFFFF90]  }
0x5d: {  	v15 =	vadd.f32 v38, v15;
	v19 =	vadd.f32 v23, v19;
	v23 =	vunpack.i.l.bf16.f32 v36;
	v40 =	vld [tilespmem:s26+$0x30]  }
0x5e: {  	v16 =	vadd.f32 v16, v0;
	v25 =	vunpack.i.u.bf16.f32 v33;
	v10 =	vadd.f32 v11, v10;
	v36 =	vld [tilespmem:s26+$0x40]  }
0x5f: {  	v26 =	vadd.f32 v21, v6;
	v11 =	vunpack.i.l.bf16.f32 v12;
	v15 =	vadd.f32 v23, v15;
	v0 =	vld.idx.msk [tilespmem:v42+s16+$0x0], $0xffff  }
0x60: {  	v16 =	vadd.f32 v25, v16;
	v11 =	vadd.f32 v11, v3;
	v12 =	vld.idx.msk [tilespmem:v28+s2+$0x0], $0xffff  }
0x61: {  	v25 =	vld.idx.msk [tilespmem:v28+s16+$0x0], $0xffff  }
0x62: {  	v21 =	vld.idx.msk [tilespmem:v13+s2+$0x0], $0xffff  }
0x63: {  	v13 =	vld.idx.msk [tilespmem:v13+s16+$0x0], $0xffff  }
0x64: {  	v33 =	vld.idx.msk [tilespmem:v37+s16+$0x0], $0xffff  }
0x65: {  	v34 =	vld.idx.msk [tilespmem:v40+s16+$0x0], $0xffff  }
0x66: {  	v44 =	vunpack.i.u.bf16.f32 v30;
	v23 =	vunpack.i.u.bf16.f32 v27;
	v3 =	vunpack.i.l.bf16.f32 v17;
	v32 =	vld.idx.msk [tilespmem:v37+s2+$0x0], $0xffff  }
0x67: {  	v46 =	vunpack.i.l.bf16.f32 v27;
	v6 =	vunpack.i.u.bf16.f32 v17;
	v28 =	vunpack.i.l.bf16.f32 v30;
	v45 =	vld.idx.msk [tilespmem:v39+s16+$0x0], $0xffff  }
0x68: {  	v30 =	vunpack.i.l.bf16.f32 v25;
	v27 =	vunpack.i.u.bf16.f32 v21;
	v21 =	vunpack.i.l.bf16.f32 v21;
	v17 =	vld.idx.msk [tilespmem:v35+s16+$0x0], $0xffff  }
0x69: {  	v21 =	vadd.f32 v21, v24;
	v27 =	vadd.f32 v27, v29;
	v29 =	vunpack.i.l.bf16.f32 v13;
	v24 =	vld.idx.msk [tilespmem:v35+s2+$0x0], $0xffff  }
0x6a: {  	v29 =	vadd.f32 v29, v22;
	v22 =	vunpack.i.u.bf16.f32 v12;
	v12 =	vunpack.i.l.bf16.f32 v12;
	v35 =	vld.idx.msk [tilespmem:v31+s16+$0x0], $0xffff  }
0x6b: {  	v13 =	vunpack.i.u.bf16.f32 v13;
	v12 =	vadd.f32 v12, v21;
	v47 =	vadd.f32 v22, v27;
	v21 =	vld.idx.msk [tilespmem:v39+s2+$0x0], $0xffff  }
.Ltmp0:
0x6c: {  	v22 =	vadd.f32 v13, v43;
	v13 =	vunpack.i.u.bf16.f32 v32;
	v43 =	vadd.f32 v30, v29;
	v27 =	vld.idx.msk [tilespmem:v36+s16+$0x0], $0xffff;
	(pc) =	sbr.rel @p0 .LBB2_3-.Ltmp0, $4  }
0x6d: {  	v8 =	vadd.f32 v13, v8;
	v13 =	vunpack.i.u.bf16.f32 v33;
	v29 =	vadd.f32 v28, v12;
	v30 =	vld.idx.msk [tilespmem:v31+s2+$0x0], $0xffff  }
0x6e: {  	v28 =	vunpack.i.u.bf16.f32 v17;
	v31 =	vunpack.i.l.bf16.f32 v33;
	v37 =	vadd.f32 v13, v41;
	v12 =	vld.idx.msk [tilespmem:v40+s2+$0x0], $0xffff  }
0x6f: {  	v39 =	vunpack.i.l.bf16.f32 v45;
	v38 =	vadd.f32 v31, v18;
	v18 =	vadd.f32 v46, v43;
	v33 =	vld.idx.msk [tilespmem:v36+s2+$0x0], $0xffff  }
0x70: {  	s26 =	sadd.s32 $0x100, s26;
	v40 =	vunpack.i.u.bf16.f32 v45;
	v31 =	vadd.f32 v44, v47;
	v36 =	vunpack.i.u.bf16.f32 v35;
	v13 =	vld.idx.msk [tilespmem:v42+s2+$0x0], $0xffff  }
0x71: {  	_ = 	snop  }
0x72: {  	v35 =	vunpack.i.l.bf16.f32 v35;
	v38 =	vadd.f32 v39, v38  }
0x73: {  	v32 =	vunpack.i.l.bf16.f32 v32;
	v37 =	vadd.f32 v40, v37;
	v53 =	vunpack.i.l.bf16.f32 v34  }
0x74: {  	v25 =	vunpack.i.u.bf16.f32 v25;
	v54 =	vunpack.i.u.bf16.f32 v34;
	v42 =	vunpack.i.l.bf16.f32 v27  }
0x75: {  	v52 =	vld.idx.msk [tilespmem:v4+s16+$0x0], $0xffff;
	v14 =	vadd.f32 v36, v14;
	v19 =	vadd.f32 v28, v19;
	v17 =	vunpack.i.l.bf16.f32 v17  }
0x76: {  	v41 =	vld.idx.msk [tilespmem:v7+s16+$0x0], $0xffff;
	v22 =	vadd.f32 v25, v22;
	v25 =	vunpack.i.l.bf16.f32 v21;
	v18 =	vadd.f32 v42, v18  }
0x77: {  	v56 =	vld.idx.msk [tilespmem:v5+s16+$0x0], $0xffff;
	v55 =	vunpack.i.u.bf16.f32 v30;
	v9 =	vadd.f32 v35, v9;
	v20 =	vadd.f32 v32, v20  }
0x78: {  	v4 =	vld.idx.msk [tilespmem:v4+s2+$0x0], $0xffff;
	v21 =	vunpack.i.u.bf16.f32 v21;
	v11 =	vadd.f32 v17, v11;
	v26 =	vadd.f32 v55, v26  }
0x79: {  	v60 =	vld [tilespmem:s24+$0x50];
	v8 =	vadd.f32 v21, v8;
	v22 =	vadd.f32 v23, v22;
	v23 =	vunpack.i.u.bf16.f32 v27  }
0x7a: {  	v59 =	vunpack.i.l.bf16.f32 v33;
	v20 =	vadd.f32 v25, v20;
	v28 =	vunpack.i.u.bf16.f32 v33  }
0x7b: {  	v27 =	vunpack.i.l.bf16.f32 v30;
	v25 =	vadd.f32 v59, v29;
	v28 =	vadd.f32 v28, v31  }
0x7c: {  	v5 =	vld.idx.msk [tilespmem:v5+s2+$0x0], $0xffff;
	v15 =	vadd.f32 v27, v15;
	v30 =	vunpack.i.u.bf16.f32 v52;
	v57 =	vunpack.i.l.bf16.f32 v52  }
0x7d: {  	v29 =	vld.idx.msk [tilespmem:v1+s16+$0x0], $0xffff;
	v58 =	vunpack.i.l.bf16.f32 v41;
	v41 =	vunpack.i.u.bf16.f32 v41;
	v31 =	vunpack.i.u.bf16.f32 v56  }
0x7e: {  	v61 =	vunpack.i.u.bf16.f32 v4;
	v27 =	vunpack.i.l.bf16.f32 v56;
	v22 =	vadd.f32 v23, v22  }
0x7f: {  	v1 =	vld.idx.msk [tilespmem:v1+s2+$0x0], $0xffff;
	v14 =	vadd.f32 v30, v14;
	v30 =	vunpack.i.u.bf16.f32 v24;
	v9 =	vadd.f32 v57, v9  }
0x80: {  	v7 =	vld.idx.msk [tilespmem:v7+s2+$0x0], $0xffff;
	v24 =	vunpack.i.l.bf16.f32 v24;
	v19 =	vadd.f32 v31, v19;
	v26 =	vadd.f32 v61, v26  }
0x81: {  	v4 =	vunpack.i.l.bf16.f32 v4;
	v16 =	vadd.f32 v30, v16;
	v10 =	vadd.f32 v24, v10;
	v23 =	vld.idx.msk [tilespmem:v60+s2+$0x0], $0xffff  }
0x82: {  	v62 =	vunpack.i.l.bf16.f32 v29;
	v24 =	vunpack.i.u.bf16.f32 v29;
	v29 =	vunpack.i.l.bf16.f32 v5  }
0x83: {  	v11 =	vadd.f32 v27, v11;
	v17 =	vld.idx.msk [tilespmem:v60+s16+$0x0], $0xffff;
	v5 =	vunpack.i.u.bf16.f32 v5;
	v10 =	vadd.f32 v29, v10  }
0x84: {  	s23 =	sand.u32 $0x3FFFFF80, s23;
	v4 =	vadd.f32 v4, v15;
	v29 =	vunpack.i.l.bf16.f32 v1;
	v5 =	vadd.f32 v5, v16  }
0x85: {  	v2 =	vld.idx.msk [tilespmem:v2+s2+$0x0], $0xffff;
	v30 =	vunpack.i.l.bf16.f32 v7;
	[tilespmem:s23+$0xD930] =	vst v25;
	v1 =	vunpack.i.u.bf16.f32 v1;
	v10 =	vadd.f32 v29, v10  }
0x86: {  	v7 =	vunpack.i.u.bf16.f32 v7;
	[tilespmem:s23+$0xDD30] =	vst v28;
	v1 =	vadd.f32 v1, v5;
	v15 =	vunpack.i.l.bf16.f32 v23  }
0x87: {  	[tilespmem:s23+$0xE130] =	vst v18;
	v5 =	vadd.f32 v62, v11;
	v11 =	vunpack.i.u.bf16.f32 v23;
	v10 =	vadd.f32 v15, v10  }
0x88: {  	[tilespmem:s23+$0xE530] =	vst v22;
	v16 =	vunpack.i.l.bf16.f32 v17;
	v15 =	vadd.f32 v24, v19;
	v1 =	vadd.f32 v11, v1  }
0x89: {  	v4 =	vadd.f32 v30, v4;
	v11 =	vunpack.i.u.bf16.f32 v17;
	v5 =	vadd.f32 v16, v5;
	[tilespmem:s23+$0xD940] =	vst v10  }
0x8a: {  	v7 =	vadd.f32 v7, v26;
	v10 =	vadd.f32 v11, v15;
	v11 =	vunpack.i.l.bf16.f32 v2;
	[tilespmem:s23+$0xDD40] =	vst v1  }
0x8b: {  	v1 =	vadd.f32 v58, v9;
	v2 =	vunpack.i.u.bf16.f32 v2;
	[tilespmem:s23+$0xE140] =	vst v5;
	v4 =	vadd.f32 v11, v4  }
0x8c: {  	v14 =	vadd.f32 v41, v14;
	v5 =	vunpack.i.l.bf16.f32 v12;
	v2 =	vadd.f32 v2, v7;
	[tilespmem:s23+$0xE540] =	vst v10  }
0x8d: {  	v5 =	vadd.f32 v5, v20;
	v1 =	vadd.f32 v3, v1;
	v3 =	vunpack.i.u.bf16.f32 v12;
	[tilespmem:s23+$0xD950] =	vst v4  }
0x8e: {  	v4 =	vadd.f32 v6, v14;
	v6 =	vunpack.i.l.bf16.f32 v13;
	v3 =	vadd.f32 v3, v8;
	[tilespmem:s23+$0xDD50] =	vst v2  }
0x8f: {  	s30 =	sshll.u32 s21, $0x1;
	v2 =	vadd.f32 v53, v38;
	v5 =	vadd.f32 v6, v5;
	v6 =	vunpack.i.u.bf16.f32 v13;
	[tilespmem:s23+$0xE150] =	vst v1  }
0x90: {  	s24 =	smin.u32 s30, $0xD;
	v7 =	vadd.f32 v54, v37;
	v1 =	vunpack.i.l.bf16.f32 v0;
	v3 =	vadd.f32 v6, v3;
	[tilespmem:s23+$0xE550] =	vst v4  }
0x91: {  	s24 =	sshll.u32 s24, $0x6;
	v0 =	vunpack.i.u.bf16.f32 v0;
	v1 =	vadd.f32 v1, v2;
	[tilespmem:s23+$0xD960] =	vst v5  }
0x92: {  	s24 =	sadd.s32 s24, s7;
	v0 =	vadd.f32 v0, v7;
	[tilespmem:s23+$0xDD60] =	vst v3  }
0x93: {  	s24 =	sshrl.u32 s24, $0x3;
	[tilespmem:s23+$0xE160] =	vst v1  }
0x94: {  	s31 =	sadd.s32 s4, s24;
	[tilespmem:s23+$0xE560] =	vst v0  }
0x95: {  	[tilespmem:s13], [sflag:$0x1] =	stream.strided.gather [hbm4b:s31+s11], $0x3200, s12, s11, $0x38;
	[tilespmem:$0xE930] =	vst v63  }
0x96: {  	_ =	swait.ge [sflag:s17], $0x3200  }
0x97: {  	[sflag:s17] =	ssyncset.done $0x0  }
0x98: {  	s23 =	simm.s32 $0xA820;
	[sflag:s17] =	ssyncadd.s32 $0xFFFFCE00  }
0x99: {  	v0 =	vld [tilespmem:s23+$0xFFFFFF90]  }
0x9a: {  	v4 =	vld [tilespmem:s23+$0xFFFFFF70]  }
0x9b: {  	v10 =	vld [tilespmem:s23+$0xFFFFFF80]  }
0x9c: {  	v2 =	vld [tilespmem:s23+$0xFFFFFFF0]  }
0x9d: {  	v1 =	vld [tilespmem:s23+$0xFFFFFFA0]  }
0x9e: {  	v11 =	vld [tilespmem:s23+$0xFFFFFF40]  }
0x9f: {  	v5 =	vld [tilespmem:s23+$0xFFFFFF60]  }
0xa0: {  	v3 =	vld [tilespmem:s23+$0xFFFFFF10]  }
0xa1: {  	v13 =	vld [tilespmem:s23+$0x0]  }
0xa2: {  	v14 =	vld [tilespmem:s23+$0xFFFFFF30]  }
0xa3: {  	v15 =	vld [tilespmem:s23+$0xFFFFFF20]  }
0xa4: {  	v16 =	vld [tilespmem:s23+$0xFFFFFFC0]  }
0xa5: {  	v6 =	vld.idx.msk [tilespmem:v0+s16+$0x0], $0xffff  }
0xa6: {  	v8 =	vld.idx.msk [tilespmem:v0+s2+$0x0], $0xffff  }
0xa7: {  	v0 =	vld [tilespmem:s23+$0xFFFFFF50]  }
0xa8: {  	v19 =	vld [tilespmem:s23+$0xFFFFFFD0]  }
0xa9: {  	v12 =	vld.idx.msk [tilespmem:v2+s16+$0x0], $0xffff  }
0xaa: {  	v17 =	vld.idx.msk [tilespmem:v3+s2+$0x0], $0xffff  }
0xab: {  	v18 =	vld.idx.msk [tilespmem:v3+s16+$0x0], $0xffff  }
0xac: {  	v63 =	vld.idx.msk [tilespmem:v10+s16+$0x0], $0xffff  }
0xad: {  	v35 =	vld.idx.msk [tilespmem:v14+s16+$0x0], $0xffff  }
0xae: {  	v30 =	vld.idx.msk [tilespmem:v14+s2+$0x0], $0xffff  }
0xaf: {  	v9 =	vimm.f32 $0.0e+00;
	v14 =	vimm.f32 $0.0e+00;
	v26 =	vunpack.i.u.bf16.f32 v8;
	v20 =	vld.idx.msk [tilespmem:v0+s2+$0x0], $0xffff  }
0xb0: {  	v32 =	vld.idx.msk [tilespmem:v11+s2+$0x0], $0xffff;
	v23 =	vunpack.i.u.bf16.f32 v6;
	v3 =	vunpack.i.l.bf16.f32 v12;
	v27 =	vunpack.i.l.bf16.f32 v8  }
0xb1: {  	v31 =	vunpack.i.l.bf16.f32 v6;
	v6 =	vunpack.i.u.bf16.f32 v12;
	v8 =	vunpack.i.u.bf16.f32 v17;
	v25 =	vld.idx.msk [tilespmem:v0+s16+$0x0], $0xffff  }
0xb2: {  	v11 =	vld.idx.msk [tilespmem:v11+s16+$0x0], $0xffff;
	v12 =	vunpack.i.l.bf16.f32 v17;
	v22 =	vunpack.i.l.bf16.f32 v18;
	v18 =	vunpack.i.u.bf16.f32 v18  }
0xb3: {  	v17 =	vld.idx.msk [tilespmem:v15+s16+$0x0], $0xffff;
	v39 =	vunpack.i.l.bf16.f32 v63;
	v36 =	vunpack.i.u.bf16.f32 v35;
	v12 =	vadd.f32 v12, v9  }
0xb4: {  	v7 =	vld [tilespmem:s23+$0xFFFFFFB0];
	v8 =	vadd.f32 v8, v9;
	v28 =	vadd.f32 v22, v9;
	v22 =	vunpack.i.l.bf16.f32 v20  }
0xb5: {  	v34 =	vld.idx.msk [tilespmem:v16+s16+$0x0], $0xffff;
	v40 =	vunpack.i.u.bf16.f32 v63;
	v20 =	vunpack.i.u.bf16.f32 v20;
	v12 =	vadd.f32 v22, v12  }
0xb6: {  	v24 =	vld.idx.msk [tilespmem:v15+s2+$0x0], $0xffff;
	v21 =	vunpack.i.l.bf16.f32 v25;
	v20 =	vadd.f32 v20, v8;
	v22 =	vadd.f32 v18, v9  }
0xb7: {  	v0 =	vld.idx.msk [tilespmem:v13+s16+$0x0], $0xffff;
	v8 =	vunpack.i.u.bf16.f32 v32;
	v15 =	vadd.f32 v21, v28;
	v18 =	vunpack.i.u.bf16.f32 v11  }
0xb8: {  	v21 =	vld.idx.msk [tilespmem:v10+s2+$0x0], $0xffff;
	v28 =	vunpack.i.u.bf16.f32 v17;
	v10 =	vunpack.i.l.bf16.f32 v11;
	v8 =	vadd.f32 v8, v9  }
0xb9: {  	v33 =	vld.idx.msk [tilespmem:v19+s2+$0x0], $0xffff;
	v11 =	vimm.f32 $0.0e+00;
	v37 =	vadd.f32 v18, v9;
	v38 =	vadd.f32 v10, v9  }
0xba: {  	v13 =	vld.idx.msk [tilespmem:v13+s2+$0x0], $0xffff;
	v10 =	vimm.f32 $0.0e+00;
	v29 =	vadd.f32 v27, v12;
	v18 =	vadd.f32 v31, v15  }
0xbb: {  	v27 =	vld.idx.msk [tilespmem:v19+s16+$0x0], $0xffff;
	v31 =	vadd.f32 v26, v20;
	v20 =	vimm.f32 $0.0e+00;
	v26 =	vimm.f32 $0.0e+00  }
0xbc: {  	s25 =	simm.s32 $0xA920;
	s24 =	simm.s32 $0x0;
	v12 =	vld.idx.msk [tilespmem:v16+s2+$0x0], $0xffff;
	v19 =	vimm.f32 $0.0e+00;
	v15 =	vimm.f32 $0.0e+00;
	v16 =	vimm.f32 $0.0e+00  }
.LBB2_5:
0xbd: {  	v41 =	vld [tilespmem:s25+$0xFFFFFF90];
	s24 =	sadd.s32 $0x4, s24;
	v35 =	vunpack.i.l.bf16.f32 v35;
	v38 =	vadd.f32 v39, v38;
	v39 =	vunpack.i.l.bf16.f32 v0  }
0xbe: {  	v32 =	vunpack.i.l.bf16.f32 v32;
	v37 =	vadd.f32 v40, v37;
	v40 =	vunpack.i.l.bf16.f32 v34;
	p0 =	slt.u32 s24, $0xC4;
	v42 =	vld.idx.msk [tilespmem:v4+s16+$0x0], $0xffff  }
0xbf: {  	v25 =	vunpack.i.u.bf16.f32 v25;
	v34 =	vunpack.i.u.bf16.f32 v34;
	v43 =	vld.idx.msk [tilespmem:v7+s16+$0x0], $0xffff;
	v38 =	vadd.f32 v40, v38  }
0xc0: {  	v25 =	vadd.f32 v25, v22;
	v22 =	vunpack.i.l.bf16.f32 v27;
	v34 =	vadd.f32 v34, v37;
	v7 =	vld.idx.msk [tilespmem:v7+s2+$0x0], $0xffff  }
0xc1: {  	v40 =	vunpack.i.l.bf16.f32 v21;
	v22 =	vadd.f32 v22, v18;
	v37 =	vld.idx.msk [tilespmem:v5+s16+$0x0], $0xffff;
	v18 =	vadd.f32 v39, v38  }
0xc2: {  	v9 =	vadd.f32 v35, v9;
	v20 =	vadd.f32 v32, v20;
	v38 =	vunpack.i.u.bf16.f32 v30;
	v32 =	vld.idx.msk [tilespmem:v4+s2+$0x0], $0xffff  }
0xc3: {  	v4 =	vadd.f32 v36, v14;
	v35 =	vld.idx.msk [tilespmem:v5+s2+$0x0], $0xffff;
	v5 =	vadd.f32 v23, v25;
	v23 =	vunpack.i.u.bf16.f32 v27  }
0xc4: {  	v26 =	vadd.f32 v38, v26;
	v25 =	vunpack.i.l.bf16.f32 v30;
	v14 =	vunpack.i.u.bf16.f32 v42;
	v36 =	vld.idx.msk [tilespmem:v2+s2+$0x0], $0xffff  }
0xc5: {  	v39 =	vunpack.i.l.bf16.f32 v33;
	v2 =	vunpack.i.l.bf16.f32 v42;
	v38 =	vunpack.i.l.bf16.f32 v43;
	v27 =	vld.idx.msk [tilespmem:v41+s16+$0x0], $0xffff  }
0xc6: {  	v4 =	vadd.f32 v14, v4;
	v14 =	vunpack.i.u.bf16.f32 v43;
	v30 =	vld.idx.msk [tilespmem:v41+s2+$0x0], $0xffff;
	v41 =	vunpack.i.u.bf16.f32 v24  }
0xc7: {  	v20 =	vadd.f32 v40, v20;
	v42 =	vunpack.i.l.bf16.f32 v24;
	v24 =	vadd.f32 v39, v29;
	v40 =	vld.idx.msk [tilespmem:v1+s2+$0x0], $0xffff  }
0xc8: {  	v19 =	vadd.f32 v28, v19;
	v28 =	vld.idx.msk [tilespmem:v1+s16+$0x0], $0xffff;
	v1 =	vadd.f32 v14, v4;
	v4 =	vunpack.i.u.bf16.f32 v33  }
0xc9: {  	v17 =	vunpack.i.l.bf16.f32 v17;
	v2 =	vadd.f32 v2, v9;
	v29 =	vadd.f32 v4, v31;
	v31 =	vld [tilespmem:s23+$0xFFFFFFE0];
	s23 =	smov.u32 s25  }
0xca: {  	v9 =	vunpack.i.l.bf16.f32 v12;
	v33 =	vunpack.i.u.bf16.f32 v37;
	v4 =	vld [tilespmem:s25+$0xFFFFFF70];
	v14 =	vadd.f32 v6, v1  }
0xcb: {  	v21 =	vunpack.i.u.bf16.f32 v21;
	v2 =	vadd.f32 v38, v2;
	v6 =	vunpack.i.u.bf16.f32 v32;
	v39 =	vld [tilespmem:s25+$0xFFFFFF80]  }
0xcc: {  	v15 =	vadd.f32 v25, v15;
	v25 =	vunpack.i.l.bf16.f32 v37;
	v20 =	vadd.f32 v9, v20;
	v1 =	vld [tilespmem:s25+$0xFFFFFFA0]  }
0xcd: {  	v16 =	vadd.f32 v41, v16;
	v38 =	vunpack.i.l.bf16.f32 v7;
	v9 =	vadd.f32 v3, v2;
	v37 =	vld [tilespmem:s25+$0xFFFFFF40]  }
0xce: {  	v43 =	vadd.f32 v23, v5;
	v41 =	vunpack.i.u.bf16.f32 v7;
	v3 =	vunpack.i.l.bf16.f32 v28;
	v2 =	vld [tilespmem:s25+$0xFFFFFFF0]  }
0xcf: {  	v23 =	vunpack.i.l.bf16.f32 v32;
	v19 =	vadd.f32 v33, v19;
	v32 =	vunpack.i.l.bf16.f32 v13;
	v5 =	vld [tilespmem:s25+$0xFFFFFF60]  }
0xd0: {  	v8 =	vadd.f32 v21, v8;
	v12 =	vunpack.i.u.bf16.f32 v12;
	v21 =	vunpack.i.u.bf16.f32 v28;
	v7 =	vld [tilespmem:s25+$0xFFFFFFB0]  }
0xd1: {  	v10 =	vadd.f32 v42, v10;
	v20 =	vadd.f32 v32, v20;
	v28 =	vunpack.i.l.bf16.f32 v35;
	v33 =	vld.idx.msk [tilespmem:v31+s2+$0x0], $0xffff  }
0xd2: {  	v11 =	vadd.f32 v17, v11;
	v8 =	vadd.f32 v12, v8;
	v13 =	vunpack.i.u.bf16.f32 v13;
	v12 =	vld.idx.msk [tilespmem:v31+s16+$0x0], $0xffff  }
0xd3: {  	v6 =	vadd.f32 v6, v26;
	v17 =	vunpack.i.l.bf16.f32 v40;
	v10 =	vadd.f32 v28, v10;
	v42 =	vld [tilespmem:s25+$0x0]  }
0xd4: {  	v8 =	vadd.f32 v13, v8;
	v19 =	vadd.f32 v21, v19;
	v21 =	vunpack.i.u.bf16.f32 v36;
	v28 =	vld [tilespmem:s25+$0xFFFFFF50]  }
0xd5: {  	v11 =	vadd.f32 v25, v11;
	v26 =	vunpack.i.u.bf16.f32 v35;
	v10 =	vadd.f32 v17, v10;
	v13 =	vld [tilespmem:s25+$0xFFFFFF10]  }
0xd6: {  	v0 =	vunpack.i.u.bf16.f32 v0;
	v15 =	vadd.f32 v23, v15;
	v6 =	vadd.f32 v41, v6;
	v17 =	vld.idx.msk [tilespmem:v2+s16+$0x0], $0xffff  }
0xd7: {  	v41 =	vadd.f32 v0, v34;
	v3 =	vadd.f32 v3, v11;
	v11 =	vunpack.i.l.bf16.f32 v33;
	v31 =	vld [tilespmem:s25+$0xFFFFFF30]  }
0xd8: {  	v0 =	vadd.f32 v26, v16;
	v16 =	vunpack.i.u.bf16.f32 v40;
	v23 =	vunpack.i.u.bf16.f32 v12;
	v35 =	vld [tilespmem:s25+$0xFFFFFF20]  }
0xd9: {  	v15 =	vadd.f32 v38, v15;
	v19 =	vadd.f32 v23, v19;
	v23 =	vunpack.i.l.bf16.f32 v36;
	v40 =	vld [tilespmem:s25+$0xFFFFFFC0]  }
0xda: {  	v16 =	vadd.f32 v16, v0;
	v25 =	vunpack.i.u.bf16.f32 v33;
	v10 =	vadd.f32 v11, v10;
	v36 =	vld [tilespmem:s25+$0xFFFFFFD0]  }
0xdb: {  	v26 =	vadd.f32 v21, v6;
	v11 =	vunpack.i.l.bf16.f32 v12;
	v15 =	vadd.f32 v23, v15;
	v0 =	vld.idx.msk [tilespmem:v42+s16+$0x0], $0xffff  }
0xdc: {  	v16 =	vadd.f32 v25, v16;
	v11 =	vadd.f32 v11, v3;
	v12 =	vld.idx.msk [tilespmem:v28+s2+$0x0], $0xffff  }
0xdd: {  	v25 =	vld.idx.msk [tilespmem:v28+s16+$0x0], $0xffff  }
0xde: {  	v21 =	vld.idx.msk [tilespmem:v13+s2+$0x0], $0xffff  }
0xdf: {  	v13 =	vld.idx.msk [tilespmem:v13+s16+$0x0], $0xffff  }
0xe0: {  	v33 =	vld.idx.msk [tilespmem:v37+s16+$0x0], $0xffff  }
0xe1: {  	v34 =	vld.idx.msk [tilespmem:v40+s16+$0x0], $0xffff  }
0xe2: {  	v44 =	vunpack.i.u.bf16.f32 v30;
	v23 =	vunpack.i.u.bf16.f32 v27;
	v3 =	vunpack.i.l.bf16.f32 v17;
	v32 =	vld.idx.msk [tilespmem:v37+s2+$0x0], $0xffff  }
0xe3: {  	v46 =	vunpack.i.l.bf16.f32 v27;
	v6 =	vunpack.i.u.bf16.f32 v17;
	v28 =	vunpack.i.l.bf16.f32 v30;
	v45 =	vld.idx.msk [tilespmem:v39+s16+$0x0], $0xffff  }
0xe4: {  	v30 =	vunpack.i.l.bf16.f32 v25;
	v27 =	vunpack.i.u.bf16.f32 v21;
	v21 =	vunpack.i.l.bf16.f32 v21;
	v17 =	vld.idx.msk [tilespmem:v35+s16+$0x0], $0xffff  }
0xe5: {  	v21 =	vadd.f32 v21, v24;
	v27 =	vadd.f32 v27, v29;
	v29 =	vunpack.i.l.bf16.f32 v13;
	v24 =	vld.idx.msk [tilespmem:v35+s2+$0x0], $0xffff  }
0xe6: {  	v29 =	vadd.f32 v29, v22;
	v22 =	vunpack.i.u.bf16.f32 v12;
	v12 =	vunpack.i.l.bf16.f32 v12;
	v35 =	vld.idx.msk [tilespmem:v31+s16+$0x0], $0xffff  }
0xe7: {  	v13 =	vunpack.i.u.bf16.f32 v13;
	v12 =	vadd.f32 v12, v21;
	v47 =	vadd.f32 v22, v27;
	v21 =	vld.idx.msk [tilespmem:v39+s2+$0x0], $0xffff  }
.Ltmp1:
0xe8: {  	v22 =	vadd.f32 v13, v43;
	v13 =	vunpack.i.u.bf16.f32 v32;
	v43 =	vadd.f32 v30, v29;
	v27 =	vld.idx.msk [tilespmem:v36+s16+$0x0], $0xffff;
	(pc) =	sbr.rel @p0 .LBB2_5-.Ltmp1, $4  }
0xe9: {  	v8 =	vadd.f32 v13, v8;
	v13 =	vunpack.i.u.bf16.f32 v33;
	v29 =	vadd.f32 v28, v12;
	v30 =	vld.idx.msk [tilespmem:v31+s2+$0x0], $0xffff  }
0xea: {  	v28 =	vunpack.i.u.bf16.f32 v17;
	v31 =	vunpack.i.l.bf16.f32 v33;
	v37 =	vadd.f32 v13, v41;
	v12 =	vld.idx.msk [tilespmem:v40+s2+$0x0], $0xffff  }
0xeb: {  	v39 =	vunpack.i.l.bf16.f32 v45;
	v38 =	vadd.f32 v31, v18;
	v18 =	vadd.f32 v46, v43;
	v33 =	vld.idx.msk [tilespmem:v36+s2+$0x0], $0xffff  }
0xec: {  	s25 =	sadd.s32 $0x100, s25;
	v40 =	vunpack.i.u.bf16.f32 v45;
	v31 =	vadd.f32 v44, v47;
	v36 =	vunpack.i.u.bf16.f32 v35;
	v13 =	vld.idx.msk [tilespmem:v42+s2+$0x0], $0xffff  }
0xed: {  	_ = 	snop  }
0xee: {  	v35 =	vunpack.i.l.bf16.f32 v35;
	v38 =	vadd.f32 v39, v38;
	v32 =	vunpack.i.l.bf16.f32 v32  }
0xef: {  	v37 =	vadd.f32 v40, v37;
	v40 =	vunpack.i.l.bf16.f32 v34;
	v25 =	vunpack.i.u.bf16.f32 v25  }
0xf0: {  	v34 =	vunpack.i.u.bf16.f32 v34;
	v42 =	vunpack.i.l.bf16.f32 v27;
	v14 =	vadd.f32 v36, v14  }
0xf1: {  	v60 =	vld.idx.msk [tilespmem:v4+s16+$0x0], $0xffff;
	v51 =	vunpack.i.u.bf16.f32 v24;
	v52 =	vunpack.i.l.bf16.f32 v24;
	v19 =	vadd.f32 v28, v19  }
0xf2: {  	v41 =	vld.idx.msk [tilespmem:v7+s16+$0x0], $0xffff;
	v17 =	vunpack.i.l.bf16.f32 v17;
	v22 =	vadd.f32 v25, v22;
	v18 =	vadd.f32 v42, v18  }
0xf3: {  	v63 =	vld.idx.msk [tilespmem:v5+s16+$0x0], $0xffff;
	v59 =	vunpack.i.u.bf16.f32 v21;
	v9 =	vadd.f32 v35, v9;
	v20 =	vadd.f32 v32, v20  }
0xf4: {  	v4 =	vld.idx.msk [tilespmem:v4+s2+$0x0], $0xffff;
	v62 =	vunpack.i.u.bf16.f32 v30;
	v16 =	vadd.f32 v51, v16;
	v10 =	vadd.f32 v52, v10  }
0xf5: {  	v49 =	vld [tilespmem:s23+$0xFFFFFFE0];
	v45 =	vunpack.i.l.bf16.f32 v30;
	v11 =	vadd.f32 v17, v11;
	v8 =	vadd.f32 v59, v8  }
0xf6: {  	v61 =	vunpack.i.l.bf16.f32 v21;
	v50 =	vld.idx.msk [tilespmem:v7+s2+$0x0], $0xffff;
	v26 =	vadd.f32 v62, v26;
	v15 =	vadd.f32 v45, v15  }
0xf7: {  	v54 =	vld.idx.msk [tilespmem:v1+s16+$0x0], $0xffff;
	v22 =	vadd.f32 v23, v22;
	v23 =	vunpack.i.u.bf16.f32 v27;
	v48 =	vunpack.i.l.bf16.f32 v33  }
0xf8: {  	v56 =	vld.idx.msk [tilespmem:v5+s2+$0x0], $0xffff;
	v20 =	vadd.f32 v61, v20;
	v55 =	vunpack.i.u.bf16.f32 v33;
	v53 =	vadd.f32 v48, v29  }
0xf9: {  	v28 =	vadd.f32 v55, v31;
	v55 =	vunpack.i.l.bf16.f32 v12;
	v46 =	vunpack.i.u.bf16.f32 v60  }
0xfa: {  	v47 =	vunpack.i.l.bf16.f32 v60;
	v36 =	vunpack.i.l.bf16.f32 v41;
	v41 =	vunpack.i.u.bf16.f32 v41  }
0xfb: {  	v57 =	vunpack.i.u.bf16.f32 v63;
	v58 =	vunpack.i.u.bf16.f32 v4;
	v61 =	vunpack.i.l.bf16.f32 v63  }
0xfc: {  	v62 =	vunpack.i.l.bf16.f32 v50;
	v63 =	vunpack.i.l.bf16.f32 v54;
	v22 =	vadd.f32 v23, v22  }
0xfd: {  	v2 =	vld.idx.msk [tilespmem:v2+s2+$0x0], $0xffff;
	v43 =	vunpack.i.l.bf16.f32 v56;
	v14 =	vadd.f32 v46, v14;
	v9 =	vadd.f32 v47, v9  }
0xfe: {  	v4 =	vunpack.i.l.bf16.f32 v4;
	v19 =	vadd.f32 v57, v19;
	v10 =	vadd.f32 v43, v10  }
0xff: {  	v60 =	vld.idx.msk [tilespmem:v1+s2+$0x0], $0xffff;
	v5 =	vunpack.i.u.bf16.f32 v56;
	v26 =	vadd.f32 v58, v26;
	v4 =	vadd.f32 v4, v15  }
0x100: {  	v7 =	vunpack.i.u.bf16.f32 v50;
	v5 =	vadd.f32 v5, v16;
	v11 =	vadd.f32 v61, v11;
	v39 =	vld.idx.msk [tilespmem:v49+s2+$0x0], $0xffff  }
0x101: {  	v61 =	vunpack.i.l.bf16.f32 v0;
	v14 =	vadd.f32 v41, v14;
	v44 =	vld.idx.msk [tilespmem:v49+s16+$0x0], $0xffff;
	[tilespmem:s22+$0xD930] =	vst v53;
	v4 =	vadd.f32 v62, v4  }
0x102: {  	v41 =	vunpack.i.u.bf16.f32 v54;
	[tilespmem:s22+$0xDD30] =	vst v28;
	v7 =	vadd.f32 v7, v26;
	v53 =	vunpack.i.l.bf16.f32 v2  }
0x103: {  	v47 =	vadd.f32 v63, v11;
	[tilespmem:s22+$0xE130] =	vst v18;
	v2 =	vunpack.i.u.bf16.f32 v2;
	v4 =	vadd.f32 v53, v4  }
0x104: {  	[tilespmem:s22+$0xE530] =	vst v22;
	v62 =	vadd.f32 v34, v37;
	v45 =	vunpack.i.l.bf16.f32 v60;
	v2 =	vadd.f32 v2, v7  }
0x105: {  	v63 =	vunpack.i.u.bf16.f32 v0;
	v57 =	vadd.f32 v6, v14;
	v10 =	vadd.f32 v45, v10;
	[tilespmem:s22+$0xD950] =	vst v4  }
0x106: {  	v1 =	vunpack.i.u.bf16.f32 v60;
	v0 =	vadd.f32 v63, v62;
	[tilespmem:s22+$0xDD50] =	vst v2;
	v46 =	vunpack.i.l.bf16.f32 v39  }
0x107: {  	v1 =	vadd.f32 v1, v5;
	[tilespmem:s22+$0xE550] =	vst v57;
	v50 =	vunpack.i.l.bf16.f32 v44;
	v10 =	vadd.f32 v46, v10  }
0x108: {  	v49 =	vadd.f32 v41, v19;
	[tilespmem:s22+$0xE560] =	vst v0;
	v48 =	vunpack.i.u.bf16.f32 v39;
	v5 =	vadd.f32 v50, v47  }
0x109: {  	v54 =	vadd.f32 v36, v9;
	v51 =	vunpack.i.u.bf16.f32 v44;
	v1 =	vadd.f32 v48, v1;
	[tilespmem:s22+$0xD940] =	vst v10  }
0x10a: {  	s21 =	sadd.s32 $0x1, s21;
	v56 =	vunpack.i.u.bf16.f32 v12;
	v52 =	vadd.f32 v51, v49;
	[tilespmem:s22+$0xE140] =	vst v5;
	v5 =	vadd.f32 v55, v20  }
0x10b: {  	p0 =	sne.s32 s21, $0x8;
	v58 =	vunpack.i.l.bf16.f32 v13;
	[tilespmem:s22+$0xDD40] =	vst v1;
	v1 =	vadd.f32 v3, v54;
	v3 =	vadd.f32 v56, v8  }
.Ltmp2:
0x10c: {  	v59 =	vadd.f32 v40, v38;
	v60 =	vunpack.i.u.bf16.f32 v13;
	[tilespmem:s22+$0xE540] =	vst v52;
	v5 =	vadd.f32 v58, v5;
	(pc) =	sbr.rel @p0 .LBB2_2-.Ltmp2, $4  }
0x10d: {  	[tilespmem:s22+$0xE150] =	vst v1;
	v3 =	vadd.f32 v60, v3  }
0x10e: {  	v1 =	vadd.f32 v61, v59;
	[tilespmem:s22+$0xD960] =	vst v5  }
0x10f: {  	[tilespmem:s22+$0xDD60] =	vst v3  }
0x110: {  	[tilespmem:s22+$0xE160] =	vst v1  }
0x111: {  	_ =	swait.ge [sflag:s15], $0x3200;
	s20 =	sadd.s32 $0x1, s20  }
0x112: {  	[sflag:s15] =	ssyncset.done $0x0;
	p0 =	sne.s32 s20, s9  }
.Ltmp3:
0x113: {  	[sflag:s15] =	ssyncadd.s32 $0xFFFFCE00;
	(pc) =	sbr.rel @p0 .LBB2_1-.Ltmp3, $4  }
0x114: {  	[hbm4b:s8+s18] =	stream.strided.scatter [tilespmem:s19], [sflag:$0x3], $0x1000, s12, s18, $0x38;
	[tilespmem:$0xE930] =	vst v63  }
0x115: {  	_ =	swait.ge [sflag:s10], $0x1000  }
0x116: {  	[sflag:s10] =	ssyncset.done $0x0  }
0x117: {  	[sflag:s10] =	ssyncadd.s32 $0xFFFFF000  }
0x118: {  	_ =	sfence.sel $0x180000  }
0x119: {  	[bflag:$0x0] =	sbarrier.arrive $0xFFFF  }
0x11a: {  	p0 =	sne.s32 s0, $0x0;
	_ =	strace $0x9000004A  }
0x11b: {  	s0 =	sadd.s32 @!p0 $0x100000, s1;
	[bflag:$0x2] =	sbarrier.arrive $0xFFFF  }
0x11c: {  	[sflag:s0] =	ssyncadd.tile.s32 @!p0 $0x1;
	_ =	shalt  }
.Lfunc_end2:
_tile_overlayer_lowered:
.L_overlay_start_2:
0x11d: {  	(tag) =	ssettag $0x2  }
0x11e: {  	s0 =	rddreg [dreg:$0x0];
	s2 =	stileid.u32  }
0x11f: {  	s1 =	rddreg [dreg:$0x1];
	p0 =	sne.s32 s2, $0x0  }
0x120: {  	s3 =	rddreg [dreg:$0x2];
	[bflag:$0x3] =	sbarrier.arrive $0xFFFF;
	s2 =	simm.s32 @!p0 $0x1C03  }
0x121: {  	[timem:s3], [sflag:s2] =	dma.local @!p0 [hbm:s0], s1  }
0x122: {  	s0 =	simm.s32 @!p0 $0x3  }
0x123: {  	_ =	swait.ge @!p0 [sflag:s0], s1  }
0x124: {  	s1 =	ssub.s32 @!p0 $0x0, s1;
	[sflag:s0] =	ssyncset.done @!p0 $0x0  }
0x125: {  	[sflag:s0] =	ssyncadd.s32 @!p0 s1  }
0x126: {  	[bflag:$0x3] =	sbarrier.arrive $0xFFFF  }
0x127: {  	_ =	shalt  }

// kernel: kernel.9.cloned.1.call-start
scs
__scs_entry_jumppad:
0x0: {  	(pc) =	sbr.rel $0x88, $3  }
0x1: {  	(tag) =	ssettag $0x0;
	lr =	simm.s32 $0x1  }
0x2: {  	[smem:$0x3F98] =	sst lr;
	_ =	strace $0xD0000000  }
0x3: {  	_ = 	snop  }
0x4: {  	_ = 	snop  }
0x5: {  	_ = 	snop  }
0x6: {  	_ = 	snop  }
0x7: {  	_ = 	snop  }
__scs_overlays_trampoline_lowered:
0x8: {  	[smem:$0x3FA7] =	sst s0  }
0x9: {  	[smem:$0x3FA8] =	sst s1  }
0xa: {  	[smem:$0x3FA9] =	sst s2  }
0xb: {  	[smem:$0x3FAA] =	sst s3  }
0xc: {  	[smem:$0x3FAB] =	sst s4  }
0xd: {  	[smem:$0x3FAC] =	sst s5  }
0xe: {  	[smem:$0x3FAD] =	sst s6  }
0xf: {  	[smem:$0x3FAE] =	sst s7  }
0x10: {  	[smem:$0x3FAF] =	sst s8  }
0x11: {  	[smem:$0x3FB0] =	sst s9;
	s0 =	simm.s32 @!p0 $0x0  }
0x12: {  	s1 =	sld [smem:$0x3F96];
	s0 =	simm.s32 @p0 $0x1  }
0x13: {  	[smem:$0x3FB1] =	sst s0;
	s0 =	simm.s32 @!p1 $0x0  }
0x14: {  	s2 =	sld [smem:$0x3F95];
	s0 =	simm.s32 @p1 $0x1  }
0x15: {  	[smem:$0x3FB2] =	sst s0;
	s0 =	simm.s32 @!p2 $0x0  }
0x16: {  	s3 =	sld [smem:$0x3FDB];
	s0 =	simm.s32 @p2 $0x1  }
0x17: {  	s4 =	simm.s32 $0x1BF5;
	[smem:$0x3FB4] =	sst s0  }
0x18: {  	s0 =	sld [smem:$0x3F97];
	_ =	swait.ge [sflag:s4], $0x0  }
0x19: {  	s7 =	sld [smem:$0x3F98]  }
0x1a: {  	s8 =	sadd.s32 $0xFFFFE003, lr  }
0x1b: {  	s9 =	sadd.s32 $0xFFFFFEF7, lr;
	s5 =	simm.s32 $0xFFFFFFFF;
	p2 =	slt.u32 s8, $0xFFFFF086  }
0x1c: {  	p1 =	slt.u32 s9, $0xF7A;
	s5 =	simm.s32 @!p2 $0x0  }
0x1d: {  	s5 =	simm.s32 @p1 $0x1;
	p0 =	seq.s32 s7, s2  }
0x1e: {  	s7 =	smul.u32 @!p0 $0xF7A, s2;
	p2 =	seq.s32 @!p0 s5, $0x0  }
0x1f: {  	s9 =	smul.u32 $0xF7A, s1;
	s8 =	simm.s32 @!p0 $0x1BF5;
	p2 =	por !p2, p0  }
0x20: {  	[sflag:s8] =	ssyncset.s32 @!p0 $0xFFFFF086;
	s6 =	sadd.s32 @!p0 s3, s7;
	s7 =	simm.s32 @!p0 $0x108  }
0x21: {  	s3 =	sadd.s32 s3, s9;
	s6 =	sadd.s32 @!p0 $0x88, s6;
	s7 =	simm.s32 @p2 $0x1082  }
0x22: {  	[simem:s7], [sflag:s8] =	dma.local @!p0 [hbm:s6], $0xF7A  }
0x23: {  	s9 =	sor.u32 $0xD0000000, s2;
	s6 =	simm.s32 $0x108;
	_ =	swait.ge @!p0 [sflag:s8], $0x0  }
0x24: {  	s3 =	sadd.s32 $0x88, s3;
	s6 =	simm.s32 @!p1 $0x1082;
	[sflag:s4] =	ssyncset.s32 $0xFFFFF086  }
0x25: {  	[simem:s6], [sflag:s4] =	dma.local [hbm:s3], $0xF7A  }
0x26: {  	[smem:$0x3F98] =	sst s1;
	(tag) =	ssettag s2;
	_ =	strace s9  }
0x27: {  	s1 =	sld [smem:$0x3FA8]  }
0x28: {  	s2 =	sld [smem:$0x3FA9]  }
0x29: {  	s4 =	sld [smem:$0x3FAB]  }
0x2a: {  	p0 =	seq.s32 s5, $0x0;
	s5 =	sld [smem:$0x3FAC]  }
0x2b: {  	s6 =	sld [smem:$0x3FAD]  }
0x2c: {  	s7 =	sld [smem:$0x3FAE]  }
0x2d: {  	s3 =	simm.s32 $0x108;
	s8 =	sld [smem:$0x3FAF]  }
0x2e: {  	s3 =	simm.s32 @!p0 $0x1082;
	s9 =	sld [smem:$0x3FB0]  }
0x2f: {  	lr =	sadd.s32 s0, s3;
	s0 =	sld [smem:$0x3FA7]  }
0x30: {  	s3 =	sld [smem:$0x3FAA]  }
0x31: {  	[smem:$0x3FB3] =	sst s10  }
0x32: {  	s10 =	sld [smem:$0x3FB1];
	_ =	sdelay $0x3  }
0x33: {  	p0 =	seq.s32 s10, $0x1;
	s10 =	sld [smem:$0x3FB3];
	_ =	sdelay $0x3  }
0x34: {  	[smem:$0x3FB3] =	sst s10  }
0x35: {  	s10 =	sld [smem:$0x3FB2];
	_ =	sdelay $0x3  }
0x36: {  	p1 =	seq.s32 s10, $0x1;
	s10 =	sld [smem:$0x3FB3];
	_ =	sdelay $0x3  }
0x37: {  	[smem:$0x3FB3] =	sst s10  }
0x38: {  	s10 =	sld [smem:$0x3FB4]  }
0x39: {  	_ = 	snop;
	(pc) =	sbr.ind lr, $3  }
0x3a: {  	_ = 	snop  }
0x3b: {  	_ = 	snop  }
0x3c: {  	p2 =	seq.s32 s10, $0x1;
	s10 =	sld [smem:$0x3FB3]  }
0x3d: {  	_ =	shalt  }
0x3e: {  	_ =	shalt  }
0x3f: {  	_ =	shalt  }
0x40: {  	_ =	shalt  }
0x41: {  	_ =	shalt  }
0x42: {  	_ =	shalt  }
0x43: {  	_ =	shalt  }
0x44: {  	_ =	shalt  }
0x45: {  	_ =	shalt  }
0x46: {  	_ =	shalt  }
0x47: {  	_ =	shalt  }
0x48: {  	_ =	shalt  }
0x49: {  	_ =	shalt  }
0x4a: {  	_ =	shalt  }
0x4b: {  	_ =	shalt  }
0x4c: {  	_ =	shalt  }
0x4d: {  	_ =	shalt  }
0x4e: {  	_ =	shalt  }
0x4f: {  	_ =	shalt  }
0x50: {  	_ =	shalt  }
0x51: {  	_ =	shalt  }
0x52: {  	_ =	shalt  }
0x53: {  	_ =	shalt  }
0x54: {  	_ =	shalt  }
0x55: {  	_ =	shalt  }
0x56: {  	_ =	shalt  }
0x57: {  	_ =	shalt  }
0x58: {  	_ =	shalt  }
0x59: {  	_ =	shalt  }
0x5a: {  	_ =	shalt  }
0x5b: {  	_ =	shalt  }
0x5c: {  	_ =	shalt  }
0x5d: {  	_ =	shalt  }
0x5e: {  	_ =	shalt  }
0x5f: {  	_ =	shalt  }
0x60: {  	_ =	shalt  }
0x61: {  	_ =	shalt  }
0x62: {  	_ =	shalt  }
0x63: {  	_ =	shalt  }
0x64: {  	_ =	shalt  }
0x65: {  	_ =	shalt  }
0x66: {  	_ =	shalt  }
0x67: {  	_ =	shalt  }
0x68: {  	_ =	shalt  }
0x69: {  	_ =	shalt  }
0x6a: {  	_ =	shalt  }
0x6b: {  	_ =	shalt  }
0x6c: {  	_ =	shalt  }
0x6d: {  	_ =	shalt  }
0x6e: {  	_ =	shalt  }
0x6f: {  	_ =	shalt  }
0x70: {  	_ =	shalt  }
0x71: {  	_ =	shalt  }
0x72: {  	_ =	shalt  }
0x73: {  	_ =	shalt  }
0x74: {  	_ =	shalt  }
0x75: {  	_ =	shalt  }
0x76: {  	_ =	shalt  }
0x77: {  	_ =	shalt  }
0x78: {  	_ =	shalt  }
0x79: {  	_ =	shalt  }
0x7a: {  	_ =	shalt  }
0x7b: {  	_ =	shalt  }
0x7c: {  	_ =	shalt  }
0x7d: {  	_ =	shalt  }
0x7e: {  	_ =	shalt  }
0x7f: {  	_ =	shalt  }
0x80: {  	_ =	shalt  }
0x81: {  	_ =	shalt  }
0x82: {  	_ =	shalt  }
0x83: {  	_ =	shalt  }
0x84: {  	_ =	shalt  }
0x85: {  	_ =	shalt  }
0x86: {  	_ =	shalt  }
0x87: {  	_ =	shalt  }
.Lfunc_end0:
.L_simem_size_0:
called_computation.1_lowered:
.L_overlay_start_0:
0x88: {  	s2 =	sld [smem:$0x3FD9]  }
0x89: {  	s3 =	sld [smem:$0x3FFE];
	_ =	sdelay $0x1  }
0x8a: {  	s1 =	srdreg.scid  }
0x8b: {  	s0 =	sand.u32 $0x1, s1  }
0x8c: {  	s16 =	sshll.u32 s0, $0xA;
	s2 =	sadd.s32 s3, s2  }
0x8d: {  	s2 =	sadd.s32 s2, s16  }
0x8e: {  	[smem:$0x3FBF] =	sst s2  }
0x8f: {  	_ = 	snop  }
0x90: {  	(tm) =	ssettm $0x1  }
0x91: {  	s17 =	sld [smem:$0x3FFB];
	_ =	sdelay $0x3  }
0x92: {  	_ =	strace s17  }
0x93: {  	s2 =	sld [smem:$0x3FFC];
	_ =	sdelay $0x3  }
0x94: {  	_ =	strace s2  }
0x95: {  	s2 =	sld [smem:$0x3FFD];
	_ =	sdelay $0x3  }
0x96: {  	_ =	strace s2  }
0x97: {  	_ =	strace $0x8FFFFFFF  }
0x98: {  	s18 =	sld [smem:$0x3FDB];
	_ =	sdelay $0x1  }
0x99: {  	s19 =	simm.s32 $_scs_section_size  }
0x9a: {  	s4 =	simm.s32 $_size__tile_overlayer_lowered;
	s5 =	simm.s32 $_tile_overlayer_lowered  }
0x9b: {  	s22 =	simm.s32 $0x1BFF;
	s21 =	sshll.u32 s5, $0x1;
	s2 =	sadd.s32 s19, s18  }
0x9c: {  	s6 =	simm.s32 $0x0;
	s20 =	sshll.u32 s4, $0x1;
	s4 =	sadd.s32 s21, s2  }
0x9d: {  	[timem:s6], [sflag:s22] =	dma.local [hbm:s4], s20  }
0x9e: {  	_ =	swait.ge [sflag:s22], s20  }
0x9f: {  	s3 =	ssub.s32 $0x0, s20;
	[sflag:s22] =	ssyncset.done $0x0  }
0xa0: {  	[sflag:s22] =	ssyncadd.s32 s3;
	_ =	sdelay $0x1  }
0xa1: {  	s23 =	simm.s32 $0x1B8B  }
0xa2: {  	_ =	swait.ge [sflag:s23], $0x1  }
0xa3: {  	[sflag:s23] =	ssyncset.done $0x0  }
0xa4: {  	s25 =	simm.s32 $0x1B8E;
	s24 =	sld [smem:$0x3FFE];
	[sflag:s23] =	ssyncadd.s32 $0xFFFFFFFF  }
0xa5: {  	s26 =	simm.s32 $execute0_lowered;
	[smem:$0x3FD2] =	sst s25  }
0xa6: {  	s4 =	sshll.u32 s26, $0x1;
	_ =	strace $0x80000046;
	[dreg:$0x1] =	wrdreg $0xFFFFFFFF  }
0xa7: {  	s28 =	simm.s32 $_size_execute0_lowered;
	s2 =	sadd.s32 s2, s4;
	[dreg:$0x0] =	wrdreg $0x0  }
0xa8: {  	s4 =	sshll.u32 s28, $0x1;
	[dreg:$0x2] =	wrdreg s2  }
0xa9: {  	[dreg:$0x3] =	wrdreg s4  }
0xaa: {  	[dreg:$0x4] =	wrdreg $0xC0  }
0xab: {  	_ =	task [dreg:s6], $0x5FFFF  }
0xac: {  	[dreg:$0x1] =	wrdreg $0xFFFFFFFF  }
0xad: {  	[dreg:$0x0] =	wrdreg $0x60  }
0xae: {  	[dreg:$0x2] =	wrdreg s24  }
0xaf: {  	[dreg:$0x3] =	wrdreg $0xA  }
0xb0: {  	_ =	task.clear_ibuf [dreg:s6], $0x4FFFF;
	_ =	strace $0x90000046  }
0xb1: {  	s29 =	simm.s32 $0xA;
	_ =	strace $0x80000048  }
0xb2: {  	_ =	swait.ge [sflag:s29], $0x1  }
0xb3: {  	[sflag:s29] =	ssyncadd.s32 $0xFFFFFFFF  }
0xb4: {  	_ =	strace $0x90000048  }
0xb5: {  	_ =	sfence  }
0xb6: {  	s30 =	sld [smem:$0x0];
	_ =	sdelay $0x2  }
0xb7: {  	s31 =	sshll.u32 s1, $0xD;
	s1 =	sshrl.u32 s1, $0x2  }
0xb8: {  	s3 =	sand.u32 $0x4000, s31;
	s1 =	sadd.s32 s1, s30  }
0xb9: {  	s0 =	sor.u32 s3, s0;
	s1 =	sshll.u32 s1, $0x11  }
0xba: {  	s0 =	sor.u32 s1, s0  }
0xbb: {  	s0 =	sadd.s32 $0x8F2B, s0  }
0xbc: {  	[sflag:s0] =	ssyncadd.remote.s32 $0x1  }
0xbd: {  	_ =	sfence.sel $0xFFFF  }
0xbe: {  	[dreg:$0x0] =	wrdreg $0xFFFFFFFF;
	(pc) =	sbr.abs _section_cstart, $3  }
0xbf: {  	[dreg:$0x1] =	wrdreg $0xFFFFFFFF  }
0xc0: {  	_ =	task.clear_ibuf [dreg:s6], $0x2FFFF;
	_ =	strace $0x9FFFFFFF  }
0xc1: {  	(tm) =	ssettm $0x7FFFFFFF  }
tec
execute0_lowered:
.L_overlay_start_1:
0x0: {  	(tag) =	ssettag $0x1  }
0x1: {  	s1 =	srdreg.scid  }
0x2: {  	s0 =	stileid.u32;
	s4 =	rddreg [dreg:$0x0];
	s2 =	simm.s32 $0x0  }
0x3: {  	s9 =	simm.s32 $0x19700;
	s5 =	sand.u32 $0x1, s1;
	s1 =	rddreg [dreg:$0x1]  }
0x4: {  	s10 =	simm.s32 $0x0;
	s3 =	sshll.u32 s0, $0x1;
	[smem:$0x7FF] =	sst s2  }
0x5: {  	s6 =	sor.u32 s5, s3;
	_ =	strace $0x80000047;
	s5 =	ssub.s32 $0x2, s5  }
0x6: {  	s7 =	smul.u32 $0x30E0, s6;
	s6 =	sshll.u32 s6, $0x9;
	s8 =	sshrl.u32 s5, $0x1  }
0x7: {  	s3 =	sadd.s32 $0x63000, s4;
	s6 =	sadd.s32 s6, s4;
	s8 =	ssub.s32 s5, s8  }
0x8: {  	s7 =	sadd.s32 s7, s4;
	s5 =	sadd.s32 $0x63200, s6;
	s6 =	smax.u32 s8, $0x1  }
0x9: {  	s8 =	simm.s32 $0x1;
	s4 =	sadd.s32 $0x1400, s7;
	s7 =	simm.s32 $0x1000  }
.LBB2_1:
0xa: {  	[tilespmem:s7], [sflag:$0x1] =	stream.linear.gather [hbm4b:s4+s2], $0x18700, $0x38;
	[tilespmem:$0x1A700] =	vst v63  }
0xb: {  	_ =	swait.ge [sflag:s8], $0x18700  }
0xc: {  	[sflag:s8] =	ssyncset.done $0x0  }
0xd: {  	[sflag:s8] =	ssyncadd.s32 $0xFFFE7900  }
0xe: {  	[tilespmem:s2], [sflag:$0x1] =	stream.linear.gather [hbm4b:s3+s2], $0x1000, $0x38;
	[tilespmem:$0x1A700] =	vst v63  }
0xf: {  	_ =	swait.ge [sflag:s8], $0x1000  }
0x10: {  	[sflag:s8] =	ssyncset.done $0x0  }
0x11: {  	s11 =	simm.s32 $0x20;
	[sflag:s8] =	ssyncadd.s32 $0xFFFFF000  }
0x12: {  	v0 =	vld [tilespmem:s11+$0x10];
	_ =	sdelay $0x1  }
0x13: {  	v2 =	vld [tilespmem:s11+$0xFFFFFFE0]  }
0x14: {  	v3 =	vld [tilespmem:s11+$0xFFFFFFF0]  }
0x15: {  	s31 =	simm.s32 $0x60;
	v4 =	vld [tilespmem:s11+$0x0]  }
0x16: {  	v7 =	vld [tilespmem:s31+$0x10]  }
0x17: {  	v1 =	vld [tilespmem:s31+$0xFFFFFFF0]  }
0x18: {  	v6 =	vld [tilespmem:s31+$0xFFFFFFE0]  }
0x19: {  	v8 =	vld.idx.msk [tilespmem:v0+s7+$0x0], $0xffff  }
0x1a: {  	v0 =	vld [tilespmem:s31+$0x0]  }
0x1b: {  	v5 =	vld.idx.msk [tilespmem:v2+s7+$0x0], $0xffff  }
0x1c: {  	v2 =	vld.idx.msk [tilespmem:v3+s7+$0x0], $0xffff  }
0x1d: {  	s11 =	simm.s32 $0x19720;
	v3 =	vld.idx.msk [tilespmem:v4+s7+$0x0], $0xffff  }
0x1e: {  	s12 =	simm.s32 $0x4;
	s13 =	simm.s32 $0xA0;
	v4 =	vld.idx.msk [tilespmem:v7+s7+$0x0], $0xffff;
	[tilespmem:s11+$0x10] =	vst v8  }
.LBB2_2:
0x1f: {  	v7 =	vld [tilespmem:s13+$0x10];
	s12 =	sadd.s32 $0x4, s12  }
0x20: {  	v8 =	vld [tilespmem:s13+$0xFFFFFFF0];
	p0 =	slt.u32 s12, $0xFC;
	[tilespmem:s11+$0xFFFFFFE0] =	vst v5  }
0x21: {  	v9 =	vld [tilespmem:s13+$0x0];
	[tilespmem:s11+$0xFFFFFFF0] =	vst v2  }
0x22: {  	v10 =	vld [tilespmem:s13+$0xFFFFFFE0];
	[tilespmem:s11+$0x0] =	vst v3  }
.Ltmp0:
0x23: {  	s11 =	sadd.s32 $0x40, s11;
	v5 =	vld.idx.msk [tilespmem:v6+s7+$0x0], $0xffff;
	(pc) =	sbr.rel @p0 .LBB2_2-.Ltmp0, $4  }
0x24: {  	v2 =	vld.idx.msk [tilespmem:v1+s7+$0x0], $0xffff;
	[tilespmem:s11+$0x10] =	vst v4  }
0x25: {  	v3 =	vld.idx.msk [tilespmem:v0+s7+$0x0], $0xffff;
	v1 =	vmov v8  }
0x26: {  	v0 =	vmov v9  }
0x27: {  	s13 =	sadd.s32 $0x40, s13;
	v4 =	vld.idx.msk [tilespmem:v7+s7+$0x0], $0xffff;
	v6 =	vmov v10  }
0x28: {  	_ =	sdelay $0x3  }
0x29: {  	v6 =	vld.idx.msk [tilespmem:v6+s7+$0x0], $0xffff  }
0x2a: {  	[tilespmem:s11+$0xFFFFFFE0] =	vst v5;
	v1 =	vld.idx.msk [tilespmem:v1+s7+$0x0], $0xffff  }
0x2b: {  	v0 =	vld.idx.msk [tilespmem:v0+s7+$0x0], $0xffff;
	[tilespmem:s11+$0xFFFFFFF0] =	vst v2  }
0x2c: {  	s31 =	sadd.s32 $0x40, s11;
	[tilespmem:s11+$0x0] =	vst v3  }
0x2d: {  	[tilespmem:s31+$0x10] =	vst v4  }
0x2e: {  	s10 =	sadd.s32 $0x1, s10;
	[tilespmem:s31+$0xFFFFFFE0] =	vst v6  }
0x2f: {  	p0 =	sne.s32 s10, s6;
	[tilespmem:s31+$0xFFFFFFF0] =	vst v1  }
.Ltmp1:
0x30: {  	[tilespmem:s31+$0x0] =	vst v0;
	(pc) =	sbr.rel @p0 .LBB2_1-.Ltmp1, $4  }
0x31: {  	[hbm4b:s5+s2] =	stream.linear.scatter [tilespmem:s9], [sflag:$0x1], $0x1000, $0x38;
	[tilespmem:$0x1A700] =	vst v63  }
0x32: {  	_ =	swait.ge [sflag:s8], $0x1000  }
0x33: {  	[sflag:s8] =	ssyncset.done $0x0  }
0x34: {  	[sflag:s8] =	ssyncadd.s32 $0xFFFFF000  }
0x35: {  	_ =	sfence.sel $0x180000  }
0x36: {  	[bflag:$0x0] =	sbarrier.arrive $0xFFFF  }
0x37: {  	p0 =	sne.s32 s0, $0x0;
	_ =	strace $0x90000047  }
0x38: {  	s0 =	sadd.s32 @!p0 $0x100000, s1;
	[bflag:$0x2] =	sbarrier.arrive $0xFFFF  }
0x39: {  	[sflag:s0] =	ssyncadd.tile.s32 @!p0 $0x1;
	_ =	shalt  }
.Lfunc_end2:
_tile_overlayer_lowered:
.L_overlay_start_2:
0x3a: {  	(tag) =	ssettag $0x2  }
0x3b: {  	s0 =	rddreg [dreg:$0x0];
	s2 =	stileid.u32  }
0x3c: {  	s1 =	rddreg [dreg:$0x1];
	p0 =	sne.s32 s2, $0x0  }
0x3d: {  	s3 =	rddreg [dreg:$0x2];
	[bflag:$0x3] =	sbarrier.arrive $0xFFFF;
	s2 =	simm.s32 @!p0 $0x1C01  }
0x3e: {  	[timem:s3], [sflag:s2] =	dma.local @!p0 [hbm:s0], s1  }
0x3f: {  	s0 =	simm.s32 @!p0 $0x1  }
0x40: {  	_ =	swait.ge @!p0 [sflag:s0], s1  }
0x41: {  	s1 =	ssub.s32 @!p0 $0x0, s1;
	[sflag:s0] =	ssyncset.done @!p0 $0x0  }
0x42: {  	[sflag:s0] =	ssyncadd.s32 @!p0 s1  }
0x43: {  	[bflag:$0x3] =	sbarrier.arrive $0xFFFF  }
0x44: {  	_ =	shalt  }

</sc_bundles>
